<compile_context>
chip_gen: v7x
topology: tpu7x:2x2x1
jax: 0.10.2.dev20260603
libtpu: 0.0.44.dev20260713+nightly
codegen_flags: <defaults>
</compile_context>

<pallas_src>
import jax
import jax.numpy as jnp
from jax import lax
from jax.experimental import pallas as pl
from jax.experimental.pallas import tpu as pltpu
from jax.experimental.pallas import tpu_sc as plsc

B, S, D, H, L, F = 16, 512, 256, 8, 6, 1024
DH = D // H
SP = 520
NTOK = 513
N = B * S
NW = 32
PER_W = N // NW
CH = 64
PB = 2


def _sc_gather_body(tok_hbm, abin_hbm, ttab_hbm, atab_hbm, out_t, out_a,
                    idx_t, idx_a, rows_t, rows_a, sem_t, sem_a):
    wid = lax.axis_index("s") * 2 + lax.axis_index("c")
    base = wid * PER_W
    for c in range(PER_W // CH):
        off = base + c * CH
        pltpu.sync_copy(tok_hbm.at[pl.ds(off, CH)], idx_t)
        pltpu.sync_copy(abin_hbm.at[pl.ds(off, CH)], idx_a)
        ct = pltpu.async_copy(ttab_hbm.at[idx_t], rows_t, sem_t)
        ca = pltpu.async_copy(atab_hbm.at[idx_a], rows_a, sem_a)
        ct.wait()
        ca.wait()
        pltpu.sync_copy(rows_t, out_t.at[pl.ds(off, CH)])
        pltpu.sync_copy(rows_a, out_a.at[pl.ds(off, CH)])


def _sc_gather(tok, abin, ttab, atab):
    mesh = plsc.VectorSubcoreMesh(core_axis_name="c", subcore_axis_name="s")
    k = pl.kernel(
        _sc_gather_body,
        mesh=mesh,
        out_type=[jax.ShapeDtypeStruct((N, D), jnp.float32),
                  jax.ShapeDtypeStruct((N, D), jnp.float32)],
        scratch_types=[pltpu.VMEM((CH,), jnp.int32),
                       pltpu.VMEM((CH,), jnp.int32),
                       pltpu.VMEM((CH, D), jnp.float32),
                       pltpu.VMEM((CH, D), jnp.float32),
                       pltpu.SemaphoreType.DMA,
                       pltpu.SemaphoreType.DMA],
    )
    return k(tok, abin, ttab, atab)


def _ln(x, g, b):
    m = jnp.mean(x, axis=-1, keepdims=True)
    v = jnp.mean((x - m) ** 2, axis=-1, keepdims=True)
    return (x - m) * lax.rsqrt(v + 1e-5) * g + b


def _bf(x):
    return x.astype(jnp.bfloat16)


def _mm_nt(a, b):
    return lax.dot_general(_bf(a), _bf(b), (((1,), (1,)), ((), ())),
                           preferred_element_type=jnp.float32)


def _mm_nn(a, b):
    return lax.dot_general(_bf(a), _bf(b), (((1,), (0,)), ((), ())),
                           preferred_element_type=jnp.float32)


def _tc_body(emb_t, emb_a, sv, Wqkv, bqkv, Wo, bo, ln1g, ln1b, W1, b1,
             W2, b2, ln2g, ln2b, lnfg, lnfb, out, x_ref):
    for s in range(PB):
        x_ref[s * SP:s * SP + S, :] = emb_t[s] + emb_a[s]
        x_ref[s * SP + S:(s + 1) * SP, :] = jnp.zeros((SP - S, D), jnp.float32)
        x_ref[s * SP + S:s * SP + S + 1, :] = sv[...]
    x0 = tuple(x_ref[s * SP:(s + 1) * SP, :] for s in range(PB))
    ones8 = jnp.ones((S, 8), jnp.bfloat16)
    hseg = ((lax.broadcasted_iota(jnp.int32, (D, H), 0) // DH) ==
            lax.broadcasted_iota(jnp.int32, (D, H), 1)).astype(jnp.bfloat16)
    hexp = ((lax.broadcasted_iota(jnp.int32, (H, D), 0) ==
             lax.broadcasted_iota(jnp.int32, (H, D), 1) // DH)
            ).astype(jnp.bfloat16)

    def one_sample(xs, Wq_, bq_, Wo_, bo_, ln1g_, ln1b_, W1_, b1_, W2_,
                   b2_, ln2g_, ln2b_):
        h1 = _ln(xs, ln1g_, ln1b_)
        qkv = _mm_nt(h1, Wq_) + bq_
        qkv_b = _bf(qkv)
        ksrow = qkv[S:S + 1, D:2 * D]
        lgs = lax.dot_general(_bf(qkv[:, 0:D] * ksrow), hseg,
                              (((1,), (0,)), ((), ())),
                              preferred_element_type=jnp.float32)
        ps_all = jnp.exp2(lgs)
        ovs = []
        for hh in range(H):
            q = qkv_b[:, DH * hh:DH * hh + DH]
            k512 = qkv_b[0:S, D + DH * hh:D + DH * hh + DH]
            v512 = qkv_b[0:S, 2 * D + DH * hh:2 * D + DH * hh + DH]
            p = _bf(jnp.exp2(lax.dot_general(
                q, k512, (((1,), (1,)), ((), ())),
                preferred_element_type=jnp.float32)))
            vv = jnp.concatenate([v512, ones8], axis=1)
            ovs.append(lax.dot_general(p, vv, (((1,), (0,)), ((), ())),
                                       preferred_element_type=jnp.float32))
        ovn = jnp.concatenate([ov[:, :DH] for ov in ovs], axis=1)
        den8 = jnp.concatenate([ov[:, DH:DH + 1] for ov in ovs],
                               axis=1) + ps_all
        re = lax.dot_general(_bf(1.0 / den8), hexp, (((1,), (0,)), ((), ())),
                             preferred_element_type=jnp.float32)
        pse = lax.dot_general(_bf(ps_all), hexp, (((1,), (0,)), ((), ())),
                              preferred_element_type=jnp.float32)
        vsrow = qkv[S:S + 1, 2 * D:3 * D]
        o = (ovn + pse * vsrow) * re
        xs = xs + _mm_nt(o, Wo_) + bo_
        h2 = _ln(xs, ln2g_, ln2b_)
        f = _mm_nt(h2, W1_) + b1_
        f = 0.5 * f * (1.0 + lax.erf(f * (2.0 ** -0.5)))
        return xs + _mm_nt(f, W2_) + b2_

    def layer(l, xc):
        w = (Wqkv[l], bqkv[l], Wo[l], bo[l], ln1g[l], ln1b[l],
             W1[l], b1[l], W2[l], b2[l], ln2g[l], ln2b[l])
        return tuple(one_sample(xs, *w) for xs in xc)

    xc = lax.fori_loop(0, L, layer, x0, unroll=1)
    for s in range(PB):
        xf = _ln(xc[s], lnfg[...], lnfb[...])
        out[s, 0:1, :] = xf[S:S + 1, :]
        out[s, 1:NTOK, :] = xf[0:S, :]


def _tc_forward(emb_t, emb_a, sv, Wqkv, bqkv, Wo, bo, ln1g, ln1b, W1, b1,
                W2, b2, ln2g, ln2b, lnfg, lnfb):
    def full(shape):
        ndim = len(shape)
        return pl.BlockSpec(shape, lambda b, n=ndim: (0,) * n)

    return pl.pallas_call(
        _tc_body,
        grid=(B // PB,),
        in_specs=[
            pl.BlockSpec((PB, S, D), lambda b: (b, 0, 0)),
            pl.BlockSpec((PB, S, D), lambda b: (b, 0, 0)),
            full((1, D)),
            full((L, 3 * D, D)), full((L, 1, 3 * D)),
            full((L, D, D)), full((L, 1, D)),
            full((L, 1, D)), full((L, 1, D)),
            full((L, F, D)), full((L, 1, F)),
            full((L, D, F)), full((L, 1, D)),
            full((L, 1, D)), full((L, 1, D)),
            full((1, D)), full((1, D)),
        ],
        out_specs=pl.BlockSpec((PB, NTOK, D), lambda b: (b, 0, 0)),
        out_shape=jax.ShapeDtypeStruct((B, NTOK, D), jnp.float32),
        scratch_shapes=[pltpu.VMEM((PB * SP, D), jnp.float32)],
        compiler_params=pltpu.CompilerParams(
            vmem_limit_bytes=100 * 1024 * 1024),
    )(emb_t, emb_a, sv, Wqkv, bqkv, Wo, bo, ln1g, ln1b, W1, b1,
      W2, b2, ln2g, ln2b, lnfg, lnfb)


def kernel(token_ids, abund_bins, taxon_table, abund_table, sample_embed,
           Wqkv, bqkv, Wo, bo, ln1_g, ln1_b, W1, b1, W2, b2, ln2_g, ln2_b,
           lnf_g, lnf_b):
    emb_t, emb_a = _sc_gather(token_ids.reshape(N).astype(jnp.int32),
                              abund_bins.reshape(N).astype(jnp.int32),
                              taxon_table, abund_table)
    c = (DH ** -0.5) * 1.4426950408889634
    Wqkv = Wqkv.at[:, :D, :].multiply(c)
    bqkv = bqkv.at[:, :D].multiply(c)
    out = _tc_forward(
        emb_t.reshape(B, S, D), emb_a.reshape(B, S, D), sample_embed,
        Wqkv.astype(jnp.bfloat16), bqkv.reshape(L, 1, 3 * D),
        Wo.astype(jnp.bfloat16), bo.reshape(L, 1, D),
        ln1_g.reshape(L, 1, D), ln1_b.reshape(L, 1, D),
        W1.astype(jnp.bfloat16), b1.reshape(L, 1, F),
        W2.astype(jnp.bfloat16), b2.reshape(L, 1, D),
        ln2_g.reshape(L, 1, D), ln2_b.reshape(L, 1, D),
        lnf_g.reshape(1, D), lnf_b.reshape(1, D))
    return (out, out[:, 0, :])

# --- scband reference (transcript-rebuilt; emitter-appended) ---
"""Pipeline reference for scband-mi-co-former-encoder-42657615184264 (READ-ONLY COPY).

The authoritative reference and input builder live on the scoring server;
editing this copy changes nothing except your own understanding.
"""

import jax, jax.numpy as jnp
import numpy as np

B, S, D, H, L, F = 16, 512, 256, 8, 6, 1024
V, NBINS = 10000, 64


def _ln(x, g, b, eps=1e-5):
    m = jnp.mean(x, axis=-1, keepdims=True)
    v = jnp.mean((x - m) ** 2, axis=-1, keepdims=True)
    return (x - m) / jnp.sqrt(v + eps) * g + b


def _mha(x, Wqkv, bqkv, Wo, bo):
    Bx, Sx, Dx = x.shape
    dh = Dx // H
    qkv = x @ Wqkv.T + bqkv
    q, k, v = jnp.split(qkv, 3, axis=-1)
    q = q.reshape(Bx, Sx, H, dh).transpose(0, 2, 1, 3)
    k = k.reshape(Bx, Sx, H, dh).transpose(0, 2, 1, 3)
    v = v.reshape(Bx, Sx, H, dh).transpose(0, 2, 1, 3)
    a = jax.nn.softmax((q @ k.transpose(0, 1, 3, 2)) / (float(dh) ** 0.5), axis=-1)
    o = (a @ v).transpose(0, 2, 1, 3).reshape(Bx, Sx, Dx)
    return o @ Wo.T + bo


def _forward(token_ids, abund_bins, taxon_table, abund_table, sample_embed, Wqkv, bqkv, Wo, bo, ln1_g, ln1_b, W1, b1, W2, b2, ln2_g, ln2_b, lnf_g, lnf_b):
    # token embedding (mode='taxon') + abundance-bin embedding
    x = taxon_table[token_ids] + abund_table[abund_bins]
    # prepend learned [SAMPLE] token
    sv = jnp.broadcast_to(sample_embed.reshape(1, 1, D), (x.shape[0], 1, D))
    x = jnp.concatenate([sv, x], axis=1)
    # pre-norm (norm_first=True) TransformerEncoder, gelu activation, eval mode (dropout off)
    for l in range(L):
        x = x + _mha(_ln(x, ln1_g[l], ln1_b[l]), Wqkv[l], bqkv[l], Wo[l], bo[l])
        h2 = _ln(x, ln2_g[l], ln2_b[l])
        x = x + (jax.nn.gelu(h2 @ W1[l].T + b1[l], approximate=False) @ W2[l].T + b2[l])
    return _ln(x, lnf_g, lnf_b)


def setup_inputs(seed: int = 0):
    key = jax.random.key(seed)
    ks = jax.random.split(key, 12)
    s = 0.02
    taxon_table = (jax.random.normal(ks[2], (V, D)) * s).at[0].set(0.0)  # padding_idx=0
    abund_table = (jax.random.normal(ks[3], (NBINS, D)) * s).at[0].set(0.0)  # padding_idx=0
    return {
        "token_ids": jax.random.randint(ks[0], (B, S), 0, V),
        "abund_bins": jax.random.randint(ks[1], (B, S), 0, NBINS),
        "taxon_table": taxon_table,
        "abund_table": abund_table,
        "sample_embed": jax.random.normal(ks[4], (1, D)) * s,
        "Wqkv": jax.random.normal(ks[5], (L, 3 * D, D)) * s,
        "bqkv": jnp.zeros((L, 3 * D)),
        "Wo": jax.random.normal(ks[6], (L, D, D)) * s,
        "bo": jnp.zeros((L, D)),
        "ln1_g": jnp.ones((L, D)),
        "ln1_b": jnp.zeros((L, D)),
        "W1": jax.random.normal(ks[7], (L, F, D)) * s,
        "b1": jnp.zeros((L, F)),
        "W2": jax.random.normal(ks[8], (L, D, F)) * s,
        "b2": jnp.zeros((L, D)),
        "ln2_g": jnp.ones((L, D)),
        "ln2_b": jnp.zeros((L, D)),
        "lnf_g": jnp.ones((D,)),
        "lnf_b": jnp.zeros((D,)),
    }


def reference(token_ids, abund_bins, taxon_table, abund_table, sample_embed, Wqkv, bqkv, Wo, bo, ln1_g, ln1_b, W1, b1, W2, b2, ln2_g, ln2_b, lnf_g, lnf_b):
    h = _forward(token_ids, abund_bins, taxon_table, abund_table, sample_embed, Wqkv, bqkv, Wo, bo, ln1_g, ln1_b, W1, b1, W2, b2, ln2_g, ln2_b, lnf_g, lnf_b)
    sample_repr = h[:, 0, :]
    return (h, sample_repr)

if __name__ == "__main__":
    import jax
    _d = setup_inputs()
    print(jax.jit(kernel)(*tuple(_d.values())))

</pallas_src>

<mosaic_0001>
#map = affine_map<(d0, d1) -> (0)>
#map1 = affine_map<(d0, d1) -> (0, 0)>
module attributes {stable_mosaic.version = 14 : i64} {
  func.func @_sc_gather_body(%arg0: i32, %arg1: i32, %arg2: memref<8192xi32, #tpu.memory_space<hbm>>, %arg3: memref<8192xi32, #tpu.memory_space<hbm>>, %arg4: memref<10000x256xf32, #tpu.memory_space<hbm>>, %arg5: memref<64x256xf32, #tpu.memory_space<hbm>>, %arg6: memref<8192x256xf32, #tpu.memory_space<hbm>>, %arg7: memref<8192x256xf32, #tpu.memory_space<hbm>>, %arg8: memref<64xi32, #tpu.memory_space<vmem>>, %arg9: memref<64xi32, #tpu.memory_space<vmem>>, %arg10: memref<64x256xf32, #tpu.memory_space<vmem>>, %arg11: memref<64x256xf32, #tpu.memory_space<vmem>>, %arg12: memref<!tpu.dma_semaphore, #tpu.memory_space<semaphore_mem>>, %arg13: memref<!tpu.dma_semaphore, #tpu.memory_space<semaphore_mem>>) attributes {dimension_semantics = [#tpu.dimension_semantics<core_parallel>, #tpu.dimension_semantics<subcore_parallel>], iteration_bounds = array<i64: 2, 16>, scalar_prefetch = 0 : i64, scratch_operands = 6 : i64, tpu.core_type = #tpu.core_type<sc_vector_subcore>, window_params = [{transform_indices = #map}, {transform_indices = #map}, {transform_indices = #map1}, {transform_indices = #map1}, {transform_indices = #map1}, {transform_indices = #map1}]} {
    %mul3A = arith.constant 2 : i32
    %mul3A_0 = arith.muli %arg1, %mul3A : i32
    %add3A = arith.addi %mul3A_0, %arg0 : i32
    %mul3A_1 = arith.constant 256 : i32
    %mul3A_2 = arith.muli %add3A, %mul3A_1 : i32
    %add3A_3 = arith.constant 0 : i32
    %add3A_4 = arith.addi %mul3A_2, %add3A_3 : i32
    "tpu.region"() ({
      %run_scoped3A = tpu.sem_alloc : memref<!tpu.dma_semaphore, #tpu.memory_space<semaphore_mem>>
      %dma_start3A_57 = tpu.memref_slice %arg2[%add3A_4] : memref<8192xi32, #tpu.memory_space<hbm>> -> memref<64xi32, #tpu.memory_space<hbm>>
      %dma_start3A_58 = tpu.memref_slice %arg2[%add3A_4] : memref<8192xi32, #tpu.memory_space<hbm>> -> memref<64xi32, #tpu.memory_space<hbm>>
      tpu.enqueue_dma source(%dma_start3A_58 : memref<64xi32, #tpu.memory_space<hbm>>) target(%arg8 : memref<64xi32, #tpu.memory_space<vmem>>) target_semaphore(%run_scoped3A : memref<!tpu.dma_semaphore, #tpu.memory_space<semaphore_mem>>)
      %dma_wait3A_59 = tpu.memref_slice %arg2[%add3A_4] : memref<8192xi32, #tpu.memory_space<hbm>> -> memref<64xi32, #tpu.memory_space<hbm>>
      %dma_wait3A_60 = tpu.memref_slice %arg2[%add3A_4] : memref<8192xi32, #tpu.memory_space<hbm>> -> memref<64xi32, #tpu.memory_space<hbm>>
      tpu.wait_dma2 semaphore(%run_scoped3A : memref<!tpu.dma_semaphore, #tpu.memory_space<semaphore_mem>>) src(%dma_wait3A_60 : memref<64xi32, #tpu.memory_space<hbm>>) dst(%arg8 : memref<64xi32, #tpu.memory_space<vmem>>)
      tpu.yield
    }) : () -> ()
    "tpu.region"() ({
      %run_scoped3A = tpu.sem_alloc : memref<!tpu.dma_semaphore, #tpu.memory_space<semaphore_mem>>
      %dma_start3A_57 = tpu.memref_slice %arg3[%add3A_4] : memref<8192xi32, #tpu.memory_space<hbm>> -> memref<64xi32, #tpu.memory_space<hbm>>
      %dma_start3A_58 = tpu.memref_slice %arg3[%add3A_4] : memref<8192xi32, #tpu.memory_space<hbm>> -> memref<64xi32, #tpu.memory_space<hbm>>
      tpu.enqueue_dma source(%dma_start3A_58 : memref<64xi32, #tpu.memory_space<hbm>>) target(%arg9 : memref<64xi32, #tpu.memory_space<vmem>>) target_semaphore(%run_scoped3A : memref<!tpu.dma_semaphore, #tpu.memory_space<semaphore_mem>>)
      %dma_wait3A_59 = tpu.memref_slice %arg3[%add3A_4] : memref<8192xi32, #tpu.memory_space<hbm>> -> memref<64xi32, #tpu.memory_space<hbm>>
      %dma_wait3A_60 = tpu.memref_slice %arg3[%add3A_4] : memref<8192xi32, #tpu.memory_space<hbm>> -> memref<64xi32, #tpu.memory_space<hbm>>
      tpu.wait_dma2 semaphore(%run_scoped3A : memref<!tpu.dma_semaphore, #tpu.memory_space<semaphore_mem>>) src(%dma_wait3A_60 : memref<64xi32, #tpu.memory_space<hbm>>) dst(%arg9 : memref<64xi32, #tpu.memory_space<vmem>>)
      tpu.yield
    }) : () -> ()
    %dma_start3A = arith.constant 0 : i32
    %dma_start3A_5 = arith.constant 0 : i32
    %dma_start3A_6 = tpu.memref_slice %arg4[%dma_start3A, %dma_start3A_5] : memref<10000x256xf32, #tpu.memory_space<hbm>> -> memref<10000x256xf32, #tpu.memory_space<hbm>>
    tpu.enqueue_indirect_dma source(%dma_start3A_6 : memref<10000x256xf32, #tpu.memory_space<hbm>>) target(%arg10 : memref<64x256xf32, #tpu.memory_space<vmem>>) offsets(%arg8 : memref<64xi32, #tpu.memory_space<vmem>>) semaphore(%arg12 : memref<!tpu.dma_semaphore, #tpu.memory_space<semaphore_mem>>)
    %dma_start3A_7 = arith.constant 0 : i32
    %dma_start3A_8 = arith.constant 0 : i32
    %dma_start3A_9 = tpu.memref_slice %arg5[%dma_start3A_7, %dma_start3A_8] : memref<64x256xf32, #tpu.memory_space<hbm>> -> memref<64x256xf32, #tpu.memory_space<hbm>>
    tpu.enqueue_indirect_dma source(%dma_start3A_9 : memref<64x256xf32, #tpu.memory_space<hbm>>) target(%arg11 : memref<64x256xf32, #tpu.memory_space<vmem>>) offsets(%arg9 : memref<64xi32, #tpu.memory_space<vmem>>) semaphore(%arg13 : memref<!tpu.dma_semaphore, #tpu.memory_space<semaphore_mem>>)
    %dma_wait3A = arith.constant 0 : i32
    %dma_wait3A_10 = arith.constant 0 : i32
    %dma_wait3A_11 = tpu.memref_slice %arg4[%dma_wait3A, %dma_wait3A_10] : memref<10000x256xf32, #tpu.memory_space<hbm>> -> memref<10000x256xf32, #tpu.memory_space<hbm>>
    tpu.wait_indirect_dma semaphore(%arg12 : memref<!tpu.dma_semaphore, #tpu.memory_space<semaphore_mem>>) src(%dma_wait3A_11 : memref<10000x256xf32, #tpu.memory_space<hbm>>) dst(%arg10 : memref<64x256xf32, #tpu.memory_space<vmem>>)
    %dma_wait3A_12 = arith.constant 0 : i32
    %dma_wait3A_13 = arith.constant 0 : i32
    %dma_wait3A_14 = tpu.memref_slice %arg5[%dma_wait3A_12, %dma_wait3A_13] : memref<64x256xf32, #tpu.memory_space<hbm>> -> memref<64x256xf32, #tpu.memory_space<hbm>>
    tpu.wait_indirect_dma semaphore(%arg13 : memref<!tpu.dma_semaphore, #tpu.memory_space<semaphore_mem>>) src(%dma_wait3A_14 : memref<64x256xf32, #tpu.memory_space<hbm>>) dst(%arg11 : memref<64x256xf32, #tpu.memory_space<vmem>>)
    "tpu.region"() ({
      %run_scoped3A = tpu.sem_alloc : memref<!tpu.dma_semaphore, #tpu.memory_space<semaphore_mem>>
      %dma_start3A_57 = arith.constant 0 : i32
      %dma_start3A_58 = tpu.memref_slice %arg6[%add3A_4, %dma_start3A_57] : memref<8192x256xf32, #tpu.memory_space<hbm>> -> memref<64x256xf32, #tpu.memory_space<hbm>>
      %dma_start3A_59 = arith.constant 0 : i32
      %dma_start3A_60 = tpu.memref_slice %arg6[%add3A_4, %dma_start3A_59] : memref<8192x256xf32, #tpu.memory_space<hbm>> -> memref<64x256xf32, #tpu.memory_space<hbm>>
      tpu.enqueue_dma source(%arg10 : memref<64x256xf32, #tpu.memory_space<vmem>>) target(%dma_start3A_60 : memref<64x256xf32, #tpu.memory_space<hbm>>) target_semaphore(%run_scoped3A : memref<!tpu.dma_semaphore, #tpu.memory_space<semaphore_mem>>)
      %dma_wait3A_61 = arith.constant 0 : i32
      %dma_wait3A_62 = tpu.memref_slice %arg6[%add3A_4, %dma_wait3A_61] : memref<8192x256xf32, #tpu.memory_space<hbm>> -> memref<64x256xf32, #tpu.memory_space<hbm>>
      %dma_wait3A_63 = arith.constant 0 : i32
      %dma_wait3A_64 = tpu.memref_slice %arg6[%add3A_4, %dma_wait3A_63] : memref<8192x256xf32, #tpu.memory_space<hbm>> -> memref<64x256xf32, #tpu.memory_space<hbm>>
      tpu.wait_dma2 semaphore(%run_scoped3A : memref<!tpu.dma_semaphore, #tpu.memory_space<semaphore_mem>>) src(%arg10 : memref<64x256xf32, #tpu.memory_space<vmem>>) dst(%dma_wait3A_64 : memref<64x256xf32, #tpu.memory_space<hbm>>)
      tpu.yield
    }) : () -> ()
    "tpu.region"() ({
      %run_scoped3A = tpu.sem_alloc : memref<!tpu.dma_semaphore, #tpu.memory_space<semaphore_mem>>
      %dma_start3A_57 = arith.constant 0 : i32
      %dma_start3A_58 = tpu.memref_slice %arg7[%add3A_4, %dma_start3A_57] : memref<8192x256xf32, #tpu.memory_space<hbm>> -> memref<64x256xf32, #tpu.memory_space<hbm>>
      %dma_start3A_59 = arith.constant 0 : i32
      %dma_start3A_60 = tpu.memref_slice %arg7[%add3A_4, %dma_start3A_59] : memref<8192x256xf32, #tpu.memory_space<hbm>> -> memref<64x256xf32, #tpu.memory_space<hbm>>
      tpu.enqueue_dma source(%arg11 : memref<64x256xf32, #tpu.memory_space<vmem>>) target(%dma_start3A_60 : memref<64x256xf32, #tpu.memory_space<hbm>>) target_semaphore(%run_scoped3A : memref<!tpu.dma_semaphore, #tpu.memory_space<semaphore_mem>>)
      %dma_wait3A_61 = arith.constant 0 : i32
      %dma_wait3A_62 = tpu.memref_slice %arg7[%add3A_4, %dma_wait3A_61] : memref<8192x256xf32, #tpu.memory_space<hbm>> -> memref<64x256xf32, #tpu.memory_space<hbm>>
      %dma_wait3A_63 = arith.constant 0 : i32
      %dma_wait3A_64 = tpu.memref_slice %arg7[%add3A_4, %dma_wait3A_63] : memref<8192x256xf32, #tpu.memory_space<hbm>> -> memref<64x256xf32, #tpu.memory_space<hbm>>
      tpu.wait_dma2 semaphore(%run_scoped3A : memref<!tpu.dma_semaphore, #tpu.memory_space<semaphore_mem>>) src(%arg11 : memref<64x256xf32, #tpu.memory_space<vmem>>) dst(%dma_wait3A_64 : memref<64x256xf32, #tpu.memory_space<hbm>>)
      tpu.yield
    }) : () -> ()
    %add3A_15 = arith.constant 64 : i32
    %add3A_16 = arith.addi %mul3A_2, %add3A_15 : i32
    "tpu.region"() ({
      %run_scoped3A = tpu.sem_alloc : memref<!tpu.dma_semaphore, #tpu.memory_space<semaphore_mem>>
      %dma_start3A_57 = tpu.memref_slice %arg2[%add3A_16] : memref<8192xi32, #tpu.memory_space<hbm>> -> memref<64xi32, #tpu.memory_space<hbm>>
      %dma_start3A_58 = tpu.memref_slice %arg2[%add3A_16] : memref<8192xi32, #tpu.memory_space<hbm>> -> memref<64xi32, #tpu.memory_space<hbm>>
      tpu.enqueue_dma source(%dma_start3A_58 : memref<64xi32, #tpu.memory_space<hbm>>) target(%arg8 : memref<64xi32, #tpu.memory_space<vmem>>) target_semaphore(%run_scoped3A : memref<!tpu.dma_semaphore, #tpu.memory_space<semaphore_mem>>)
      %dma_wait3A_59 = tpu.memref_slice %arg2[%add3A_16] : memref<8192xi32, #tpu.memory_space<hbm>> -> memref<64xi32, #tpu.memory_space<hbm>>
      %dma_wait3A_60 = tpu.memref_slice %arg2[%add3A_16] : memref<8192xi32, #tpu.memory_space<hbm>> -> memref<64xi32, #tpu.memory_space<hbm>>
      tpu.wait_dma2 semaphore(%run_scoped3A : memref<!tpu.dma_semaphore, #tpu.memory_space<semaphore_mem>>) src(%dma_wait3A_60 : memref<64xi32, #tpu.memory_space<hbm>>) dst(%arg8 : memref<64xi32, #tpu.memory_space<vmem>>)
      tpu.yield
    }) : () -> ()
    "tpu.region"() ({
      %run_scoped3A = tpu.sem_alloc : memref<!tpu.dma_semaphore, #tpu.memory_space<semaphore_mem>>
      %dma_start3A_57 = tpu.memref_slice %arg3[%add3A_16] : memref<8192xi32, #tpu.memory_space<hbm>> -> memref<64xi32, #tpu.memory_space<hbm>>
      %dma_start3A_58 = tpu.memref_slice %arg3[%add3A_16] : memref<8192xi32, #tpu.memory_space<hbm>> -> memref<64xi32, #tpu.memory_space<hbm>>
      tpu.enqueue_dma source(%dma_start3A_58 : memref<64xi32, #tpu.memory_space<hbm>>) target(%arg9 : memref<64xi32, #tpu.memory_space<vmem>>) target_semaphore(%run_scoped3A : memref<!tpu.dma_semaphore, #tpu.memory_space<semaphore_mem>>)
      %dma_wait3A_59 = tpu.memref_slice %arg3[%add3A_16] : memref<8192xi32, #tpu.memory_space<hbm>> -> memref<64xi32, #tpu.memory_space<hbm>>
      %dma_wait3A_60 = tpu.memref_slice %arg3[%add3A_16] : memref<8192xi32, #tpu.memory_space<hbm>> -> memref<64xi32, #tpu.memory_space<hbm>>
      tpu.wait_dma2 semaphore(%run_scoped3A : memref<!tpu.dma_semaphore, #tpu.memory_space<semaphore_mem>>) src(%dma_wait3A_60 : memref<64xi32, #tpu.memory_space<hbm>>) dst(%arg9 : memref<64xi32, #tpu.memory_space<vmem>>)
      tpu.yield
    }) : () -> ()
    %dma_start3A_17 = arith.constant 0 : i32
    %dma_start3A_18 = arith.constant 0 : i32
    %dma_start3A_19 = tpu.memref_slice %arg4[%dma_start3A_17, %dma_start3A_18] : memref<10000x256xf32, #tpu.memory_space<hbm>> -> memref<10000x256xf32, #tpu.memory_space<hbm>>
    tpu.enqueue_indirect_dma source(%dma_start3A_19 : memref<10000x256xf32, #tpu.memory_space<hbm>>) target(%arg10 : memref<64x256xf32, #tpu.memory_space<vmem>>) offsets(%arg8 : memref<64xi32, #tpu.memory_space<vmem>>) semaphore(%arg12 : memref<!tpu.dma_semaphore, #tpu.memory_space<semaphore_mem>>)
    %dma_start3A_20 = arith.constant 0 : i32
    %dma_start3A_21 = arith.constant 0 : i32
    %dma_start3A_22 = tpu.memref_slice %arg5[%dma_start3A_20, %dma_start3A_21] : memref<64x256xf32, #tpu.memory_space<hbm>> -> memref<64x256xf32, #tpu.memory_space<hbm>>
    tpu.enqueue_indirect_dma source(%dma_start3A_22 : memref<64x256xf32, #tpu.memory_space<hbm>>) target(%arg11 : memref<64x256xf32, #tpu.memory_space<vmem>>) offsets(%arg9 : memref<64xi32, #tpu.memory_space<vmem>>) semaphore(%arg13 : memref<!tpu.dma_semaphore, #tpu.memory_space<semaphore_mem>>)
    %dma_wait3A_23 = arith.constant 0 : i32
    %dma_wait3A_24 = arith.constant 0 : i32
    %dma_wait3A_25 = tpu.memref_slice %arg4[%dma_wait3A_23, %dma_wait3A_24] : memref<10000x256xf32, #tpu.memory_space<hbm>> -> memref<10000x256xf32, #tpu.memory_space<hbm>>
    tpu.wait_indirect_dma semaphore(%arg12 : memref<!tpu.dma_semaphore, #tpu.memory_space<semaphore_mem>>) src(%dma_wait3A_25 : memref<10000x256xf32, #tpu.memory_space<hbm>>) dst(%arg10 : memref<64x256xf32, #tpu.memory_space<vmem>>)
    %dma_wait3A_26 = arith.constant 0 : i32
    %dma_wait3A_27 = arith.constant 0 : i32
    %dma_wait3A_28 = tpu.memref_slice %arg5[%dma_wait3A_26, %dma_wait3A_27] : memref<64x256xf32, #tpu.memory_space<hbm>> -> memref<64x256xf32, #tpu.memory_space<hbm>>
    tpu.wait_indirect_dma semaphore(%arg13 : memref<!tpu.dma_semaphore, #tpu.memory_space<semaphore_mem>>) src(%dma_wait3A_28 : memref<64x256xf32, #tpu.memory_space<hbm>>) dst(%arg11 : memref<64x256xf32, #tpu.memory_space<vmem>>)
    "tpu.region"() ({
      %run_scoped3A = tpu.sem_alloc : memref<!tpu.dma_semaphore, #tpu.memory_space<semaphore_mem>>
      %dma_start3A_57 = arith.constant 0 : i32
      %dma_start3A_58 = tpu.memref_slice %arg6[%add3A_16, %dma_start3A_57] : memref<8192x256xf32, #tpu.memory_space<hbm>> -> memref<64x256xf32, #tpu.memory_space<hbm>>
      %dma_start3A_59 = arith.constant 0 : i32
      %dma_start3A_60 = tpu.memref_slice %arg6[%add3A_16, %dma_start3A_59] : memref<8192x256xf32, #tpu.memory_space<hbm>> -> memref<64x256xf32, #tpu.memory_space<hbm>>
      tpu.enqueue_dma source(%arg10 : memref<64x256xf32, #tpu.memory_space<vmem>>) target(%dma_start3A_60 : memref<64x256xf32, #tpu.memory_space<hbm>>) target_semaphore(%run_scoped3A : memref<!tpu.dma_semaphore, #tpu.memory_space<semaphore_mem>>)
      %dma_wait3A_61 = arith.constant 0 : i32
      %dma_wait3A_62 = tpu.memref_slice %arg6[%add3A_16, %dma_wait3A_61] : memref<8192x256xf32, #tpu.memory_space<hbm>> -> memref<64x256xf32, #tpu.memory_space<hbm>>
      %dma_wait3A_63 = arith.constant 0 : i32
      %dma_wait3A_64 = tpu.memref_slice %arg6[%add3A_16, %dma_wait3A_63] : memref<8192x256xf32, #tpu.memory_space<hbm>> -> memref<64x256xf32, #tpu.memory_space<hbm>>
      tpu.wait_dma2 semaphore(%run_scoped3A : memref<!tpu.dma_semaphore, #tpu.memory_space<semaphore_mem>>) src(%arg10 : memref<64x256xf32, #tpu.memory_space<vmem>>) dst(%dma_wait3A_64 : memref<64x256xf32, #tpu.memory_space<hbm>>)
      tpu.yield
    }) : () -> ()
    "tpu.region"() ({
      %run_scoped3A = tpu.sem_alloc : memref<!tpu.dma_semaphore, #tpu.memory_space<semaphore_mem>>
      %dma_start3A_57 = arith.constant 0 : i32
      %dma_start3A_58 = tpu.memref_slice %arg7[%add3A_16, %dma_start3A_57] : memref<8192x256xf32, #tpu.memory_space<hbm>> -> memref<64x256xf32, #tpu.memory_space<hbm>>
      %dma_start3A_59 = arith.constant 0 : i32
      %dma_start3A_60 = tpu.memref_slice %arg7[%add3A_16, %dma_start3A_59] : memref<8192x256xf32, #tpu.memory_space<hbm>> -> memref<64x256xf32, #tpu.memory_space<hbm>>
      tpu.enqueue_dma source(%arg11 : memref<64x256xf32, #tpu.memory_space<vmem>>) target(%dma_start3A_60 : memref<64x256xf32, #tpu.memory_space<hbm>>) target_semaphore(%run_scoped3A : memref<!tpu.dma_semaphore, #tpu.memory_space<semaphore_mem>>)
      %dma_wait3A_61 = arith.constant 0 : i32
      %dma_wait3A_62 = tpu.memref_slice %arg7[%add3A_16, %dma_wait3A_61] : memref<8192x256xf32, #tpu.memory_space<hbm>> -> memref<64x256xf32, #tpu.memory_space<hbm>>
      %dma_wait3A_63 = arith.constant 0 : i32
      %dma_wait3A_64 = tpu.memref_slice %arg7[%add3A_16, %dma_wait3A_63] : memref<8192x256xf32, #tpu.memory_space<hbm>> -> memref<64x256xf32, #tpu.memory_space<hbm>>
      tpu.wait_dma2 semaphore(%run_scoped3A : memref<!tpu.dma_semaphore, #tpu.memory_space<semaphore_mem>>) src(%arg11 : memref<64x256xf32, #tpu.memory_space<vmem>>) dst(%dma_wait3A_64 : memref<64x256xf32, #tpu.memory_space<hbm>>)
      tpu.yield
    }) : () -> ()
    %add3A_29 = arith.constant 128 : i32
    %add3A_30 = arith.addi %mul3A_2, %add3A_29 : i32
    "tpu.region"() ({
      %run_scoped3A = tpu.sem_alloc : memref<!tpu.dma_semaphore, #tpu.memory_space<semaphore_mem>>
      %dma_start3A_57 = tpu.memref_slice %arg2[%add3A_30] : memref<8192xi32, #tpu.memory_space<hbm>> -> memref<64xi32, #tpu.memory_space<hbm>>
      %dma_start3A_58 = tpu.memref_slice %arg2[%add3A_30] : memref<8192xi32, #tpu.memory_space<hbm>> -> memref<64xi32, #tpu.memory_space<hbm>>
      tpu.enqueue_dma source(%dma_start3A_58 : memref<64xi32, #tpu.memory_space<hbm>>) target(%arg8 : memref<64xi32, #tpu.memory_space<vmem>>) target_semaphore(%run_scoped3A : memref<!tpu.dma_semaphore, #tpu.memory_space<semaphore_mem>>)
      %dma_wait3A_59 = tpu.memref_slice %arg2[%add3A_30] : memref<8192xi32, #tpu.memory_space<hbm>> -> memref<64xi32, #tpu.memory_space<hbm>>
      %dma_wait3A_60 = tpu.memref_slice %arg2[%add3A_30] : memref<8192xi32, #tpu.memory_space<hbm>> -> memref<64xi32, #tpu.memory_space<hbm>>
      tpu.wait_dma2 semaphore(%run_scoped3A : memref<!tpu.dma_semaphore, #tpu.memory_space<semaphore_mem>>) src(%dma_wait3A_60 : memref<64xi32, #tpu.memory_space<hbm>>) dst(%arg8 : memref<64xi32, #tpu.memory_space<vmem>>)
      tpu.yield
    }) : () -> ()
    "tpu.region"() ({
      %run_scoped3A = tpu.sem_alloc : memref<!tpu.dma_semaphore, #tpu.memory_space<semaphore_mem>>
      %dma_start3A_57 = tpu.memref_slice %arg3[%add3A_30] : memref<8192xi32, #tpu.memory_space<hbm>> -> memref<64xi32, #tpu.memory_space<hbm>>
      %dma_start3A_58 = tpu.memref_slice %arg3[%add3A_30] : memref<8192xi32, #tpu.memory_space<hbm>> -> memref<64xi32, #tpu.memory_space<hbm>>
      tpu.enqueue_dma source(%dma_start3A_58 : memref<64xi32, #tpu.memory_space<hbm>>) target(%arg9 : memref<64xi32, #tpu.memory_space<vmem>>) target_semaphore(%run_scoped3A : memref<!tpu.dma_semaphore, #tpu.memory_space<semaphore_mem>>)
      %dma_wait3A_59 = tpu.memref_slice %arg3[%add3A_30] : memref<8192xi32, #tpu.memory_space<hbm>> -> memref<64xi32, #tpu.memory_space<hbm>>
      %dma_wait3A_60 = tpu.memref_slice %arg3[%add3A_30] : memref<8192xi32, #tpu.memory_space<hbm>> -> memref<64xi32, #tpu.memory_space<hbm>>
      tpu.wait_dma2 semaphore(%run_scoped3A : memref<!tpu.dma_semaphore, #tpu.memory_space<semaphore_mem>>) src(%dma_wait3A_60 : memref<64xi32, #tpu.memory_space<hbm>>) dst(%arg9 : memref<64xi32, #tpu.memory_space<vmem>>)
      tpu.yield
    }) : () -> ()
    %dma_start3A_31 = arith.constant 0 : i32
    %dma_start3A_32 = arith.constant 0 : i32
    %dma_start3A_33 = tpu.memref_slice %arg4[%dma_start3A_31, %dma_start3A_32] : memref<10000x256xf32, #tpu.memory_space<hbm>> -> memref<10000x256xf32, #tpu.memory_space<hbm>>
    tpu.enqueue_indirect_dma source(%dma_start3A_33 : memref<10000x256xf32, #tpu.memory_space<hbm>>) target(%arg10 : memref<64x256xf32, #tpu.memory_space<vmem>>) offsets(%arg8 : memref<64xi32, #tpu.memory_space<vmem>>) semaphore(%arg12 : memref<!tpu.dma_semaphore, #tpu.memory_space<semaphore_mem>>)
    %dma_start3A_34 = arith.constant 0 : i32
    %dma_start3A_35 = arith.constant 0 : i32
    %dma_start3A_36 = tpu.memref_slice %arg5[%dma_start3A_34, %dma_start3A_35] : memref<64x256xf32, #tpu.memory_space<hbm>> -> memref<64x256xf32, #tpu.memory_space<hbm>>
    tpu.enqueue_indirect_dma source(%dma_start3A_36 : memref<64x256xf32, #tpu.memory_space<hbm>>) target(%arg11 : memref<64x256xf32, #tpu.memory_space<vmem>>) offsets(%arg9 : memref<64xi32, #tpu.memory_space<vmem>>) semaphore(%arg13 : memref<!tpu.dma_semaphore, #tpu.memory_space<semaphore_mem>>)
    %dma_wait3A_37 = arith.constant 0 : i32
    %dma_wait3A_38 = arith.constant 0 : i32
    %dma_wait3A_39 = tpu.memref_slice %arg4[%dma_wait3A_37, %dma_wait3A_38] : memref<10000x256xf32, #tpu.memory_space<hbm>> -> memref<10000x256xf32, #tpu.memory_space<hbm>>
    tpu.wait_indirect_dma semaphore(%arg12 : memref<!tpu.dma_semaphore, #tpu.memory_space<semaphore_mem>>) src(%dma_wait3A_39 : memref<10000x256xf32, #tpu.memory_space<hbm>>) dst(%arg10 : memref<64x256xf32, #tpu.memory_space<vmem>>)
    %dma_wait3A_40 = arith.constant 0 : i32
    %dma_wait3A_41 = arith.constant 0 : i32
    %dma_wait3A_42 = tpu.memref_slice %arg5[%dma_wait3A_40, %dma_wait3A_41] : memref<64x256xf32, #tpu.memory_space<hbm>> -> memref<64x256xf32, #tpu.memory_space<hbm>>
    tpu.wait_indirect_dma semaphore(%arg13 : memref<!tpu.dma_semaphore, #tpu.memory_space<semaphore_mem>>) src(%dma_wait3A_42 : memref<64x256xf32, #tpu.memory_space<hbm>>) dst(%arg11 : memref<64x256xf32, #tpu.memory_space<vmem>>)
    "tpu.region"() ({
      %run_scoped3A = tpu.sem_alloc : memref<!tpu.dma_semaphore, #tpu.memory_space<semaphore_mem>>
      %dma_start3A_57 = arith.constant 0 : i32
      %dma_start3A_58 = tpu.memref_slice %arg6[%add3A_30, %dma_start3A_57] : memref<8192x256xf32, #tpu.memory_space<hbm>> -> memref<64x256xf32, #tpu.memory_space<hbm>>
      %dma_start3A_59 = arith.constant 0 : i32
      %dma_start3A_60 = tpu.memref_slice %arg6[%add3A_30, %dma_start3A_59] : memref<8192x256xf32, #tpu.memory_space<hbm>> -> memref<64x256xf32, #tpu.memory_space<hbm>>
      tpu.enqueue_dma source(%arg10 : memref<64x256xf32, #tpu.memory_space<vmem>>) target(%dma_start3A_60 : memref<64x256xf32, #tpu.memory_space<hbm>>) target_semaphore(%run_scoped3A : memref<!tpu.dma_semaphore, #tpu.memory_space<semaphore_mem>>)
      %dma_wait3A_61 = arith.constant 0 : i32
      %dma_wait3A_62 = tpu.memref_slice %arg6[%add3A_30, %dma_wait3A_61] : memref<8192x256xf32, #tpu.memory_space<hbm>> -> memref<64x256xf32, #tpu.memory_space<hbm>>
      %dma_wait3A_63 = arith.constant 0 : i32
      %dma_wait3A_64 = tpu.memref_slice %arg6[%add3A_30, %dma_wait3A_63] : memref<8192x256xf32, #tpu.memory_space<hbm>> -> memref<64x256xf32, #tpu.memory_space<hbm>>
      tpu.wait_dma2 semaphore(%run_scoped3A : memref<!tpu.dma_semaphore, #tpu.memory_space<semaphore_mem>>) src(%arg10 : memref<64x256xf32, #tpu.memory_space<vmem>>) dst(%dma_wait3A_64 : memref<64x256xf32, #tpu.memory_space<hbm>>)
      tpu.yield
    }) : () -> ()
    "tpu.region"() ({
      %run_scoped3A = tpu.sem_alloc : memref<!tpu.dma_semaphore, #tpu.memory_space<semaphore_mem>>
      %dma_start3A_57 = arith.constant 0 : i32
      %dma_start3A_58 = tpu.memref_slice %arg7[%add3A_30, %dma_start3A_57] : memref<8192x256xf32, #tpu.memory_space<hbm>> -> memref<64x256xf32, #tpu.memory_space<hbm>>
      %dma_start3A_59 = arith.constant 0 : i32
      %dma_start3A_60 = tpu.memref_slice %arg7[%add3A_30, %dma_start3A_59] : memref<8192x256xf32, #tpu.memory_space<hbm>> -> memref<64x256xf32, #tpu.memory_space<hbm>>
      tpu.enqueue_dma source(%arg11 : memref<64x256xf32, #tpu.memory_space<vmem>>) target(%dma_start3A_60 : memref<64x256xf32, #tpu.memory_space<hbm>>) target_semaphore(%run_scoped3A : memref<!tpu.dma_semaphore, #tpu.memory_space<semaphore_mem>>)
      %dma_wait3A_61 = arith.constant 0 : i32
      %dma_wait3A_62 = tpu.memref_slice %arg7[%add3A_30, %dma_wait3A_61] : memref<8192x256xf32, #tpu.memory_space<hbm>> -> memref<64x256xf32, #tpu.memory_space<hbm>>
      %dma_wait3A_63 = arith.constant 0 : i32
      %dma_wait3A_64 = tpu.memref_slice %arg7[%add3A_30, %dma_wait3A_63] : memref<8192x256xf32, #tpu.memory_space<hbm>> -> memref<64x256xf32, #tpu.memory_space<hbm>>
      tpu.wait_dma2 semaphore(%run_scoped3A : memref<!tpu.dma_semaphore, #tpu.memory_space<semaphore_mem>>) src(%arg11 : memref<64x256xf32, #tpu.memory_space<vmem>>) dst(%dma_wait3A_64 : memref<64x256xf32, #tpu.memory_space<hbm>>)
      tpu.yield
    }) : () -> ()
    %add3A_43 = arith.constant 192 : i32
    %add3A_44 = arith.addi %mul3A_2, %add3A_43 : i32
    "tpu.region"() ({
      %run_scoped3A = tpu.sem_alloc : memref<!tpu.dma_semaphore, #tpu.memory_space<semaphore_mem>>
      %dma_start3A_57 = tpu.memref_slice %arg2[%add3A_44] : memref<8192xi32, #tpu.memory_space<hbm>> -> memref<64xi32, #tpu.memory_space<hbm>>
      %dma_start3A_58 = tpu.memref_slice %arg2[%add3A_44] : memref<8192xi32, #tpu.memory_space<hbm>> -> memref<64xi32, #tpu.memory_space<hbm>>
      tpu.enqueue_dma source(%dma_start3A_58 : memref<64xi32, #tpu.memory_space<hbm>>) target(%arg8 : memref<64xi32, #tpu.memory_space<vmem>>) target_semaphore(%run_scoped3A : memref<!tpu.dma_semaphore, #tpu.memory_space<semaphore_mem>>)
      %dma_wait3A_59 = tpu.memref_slice %arg2[%add3A_44] : memref<8192xi32, #tpu.memory_space<hbm>> -> memref<64xi32, #tpu.memory_space<hbm>>
      %dma_wait3A_60 = tpu.memref_slice %arg2[%add3A_44] : memref<8192xi32, #tpu.memory_space<hbm>> -> memref<64xi32, #tpu.memory_space<hbm>>
      tpu.wait_dma2 semaphore(%run_scoped3A : memref<!tpu.dma_semaphore, #tpu.memory_space<semaphore_mem>>) src(%dma_wait3A_60 : memref<64xi32, #tpu.memory_space<hbm>>) dst(%arg8 : memref<64xi32, #tpu.memory_space<vmem>>)
      tpu.yield
    }) : () -> ()
    "tpu.region"() ({
      %run_scoped3A = tpu.sem_alloc : memref<!tpu.dma_semaphore, #tpu.memory_space<semaphore_mem>>
      %dma_start3A_57 = tpu.memref_slice %arg3[%add3A_44] : memref<8192xi32, #tpu.memory_space<hbm>> -> memref<64xi32, #tpu.memory_space<hbm>>
      %dma_start3A_58 = tpu.memref_slice %arg3[%add3A_44] : memref<8192xi32, #tpu.memory_space<hbm>> -> memref<64xi32, #tpu.memory_space<hbm>>
      tpu.enqueue_dma source(%dma_start3A_58 : memref<64xi32, #tpu.memory_space<hbm>>) target(%arg9 : memref<64xi32, #tpu.memory_space<vmem>>) target_semaphore(%run_scoped3A : memref<!tpu.dma_semaphore, #tpu.memory_space<semaphore_mem>>)
      %dma_wait3A_59 = tpu.memref_slice %arg3[%add3A_44] : memref<8192xi32, #tpu.memory_space<hbm>> -> memref<64xi32, #tpu.memory_space<hbm>>
      %dma_wait3A_60 = tpu.memref_slice %arg3[%add3A_44] : memref<8192xi32, #tpu.memory_space<hbm>> -> memref<64xi32, #tpu.memory_space<hbm>>
      tpu.wait_dma2 semaphore(%run_scoped3A : memref<!tpu.dma_semaphore, #tpu.memory_space<semaphore_mem>>) src(%dma_wait3A_60 : memref<64xi32, #tpu.memory_space<hbm>>) dst(%arg9 : memref<64xi32, #tpu.memory_space<vmem>>)
      tpu.yield
    }) : () -> ()
    %dma_start3A_45 = arith.constant 0 : i32
    %dma_start3A_46 = arith.constant 0 : i32
    %dma_start3A_47 = tpu.memref_slice %arg4[%dma_start3A_45, %dma_start3A_46] : memref<10000x256xf32, #tpu.memory_space<hbm>> -> memref<10000x256xf32, #tpu.memory_space<hbm>>
    tpu.enqueue_indirect_dma source(%dma_start3A_47 : memref<10000x256xf32, #tpu.memory_space<hbm>>) target(%arg10 : memref<64x256xf32, #tpu.memory_space<vmem>>) offsets(%arg8 : memref<64xi32, #tpu.memory_space<vmem>>) semaphore(%arg12 : memref<!tpu.dma_semaphore, #tpu.memory_space<semaphore_mem>>)
    %dma_start3A_48 = arith.constant 0 : i32
    %dma_start3A_49 = arith.constant 0 : i32
    %dma_start3A_50 = tpu.memref_slice %arg5[%dma_start3A_48, %dma_start3A_49] : memref<64x256xf32, #tpu.memory_space<hbm>> -> memref<64x256xf32, #tpu.memory_space<hbm>>
    tpu.enqueue_indirect_dma source(%dma_start3A_50 : memref<64x256xf32, #tpu.memory_space<hbm>>) target(%arg11 : memref<64x256xf32, #tpu.memory_space<vmem>>) offsets(%arg9 : memref<64xi32, #tpu.memory_space<vmem>>) semaphore(%arg13 : memref<!tpu.dma_semaphore, #tpu.memory_space<semaphore_mem>>)
    %dma_wait3A_51 = arith.constant 0 : i32
    %dma_wait3A_52 = arith.constant 0 : i32
    %dma_wait3A_53 = tpu.memref_slice %arg4[%dma_wait3A_51, %dma_wait3A_52] : memref<10000x256xf32, #tpu.memory_space<hbm>> -> memref<10000x256xf32, #tpu.memory_space<hbm>>
    tpu.wait_indirect_dma semaphore(%arg12 : memref<!tpu.dma_semaphore, #tpu.memory_space<semaphore_mem>>) src(%dma_wait3A_53 : memref<10000x256xf32, #tpu.memory_space<hbm>>) dst(%arg10 : memref<64x256xf32, #tpu.memory_space<vmem>>)
    %dma_wait3A_54 = arith.constant 0 : i32
    %dma_wait3A_55 = arith.constant 0 : i32
    %dma_wait3A_56 = tpu.memref_slice %arg5[%dma_wait3A_54, %dma_wait3A_55] : memref<64x256xf32, #tpu.memory_space<hbm>> -> memref<64x256xf32, #tpu.memory_space<hbm>>
    tpu.wait_indirect_dma semaphore(%arg13 : memref<!tpu.dma_semaphore, #tpu.memory_space<semaphore_mem>>) src(%dma_wait3A_56 : memref<64x256xf32, #tpu.memory_space<hbm>>) dst(%arg11 : memref<64x256xf32, #tpu.memory_space<vmem>>)
    "tpu.region"() ({
      %run_scoped3A = tpu.sem_alloc : memref<!tpu.dma_semaphore, #tpu.memory_space<semaphore_mem>>
      %dma_start3A_57 = arith.constant 0 : i32
      %dma_start3A_58 = tpu.memref_slice %arg6[%add3A_44, %dma_start3A_57] : memref<8192x256xf32, #tpu.memory_space<hbm>> -> memref<64x256xf32, #tpu.memory_space<hbm>>
      %dma_start3A_59 = arith.constant 0 : i32
      %dma_start3A_60 = tpu.memref_slice %arg6[%add3A_44, %dma_start3A_59] : memref<8192x256xf32, #tpu.memory_space<hbm>> -> memref<64x256xf32, #tpu.memory_space<hbm>>
      tpu.enqueue_dma source(%arg10 : memref<64x256xf32, #tpu.memory_space<vmem>>) target(%dma_start3A_60 : memref<64x256xf32, #tpu.memory_space<hbm>>) target_semaphore(%run_scoped3A : memref<!tpu.dma_semaphore, #tpu.memory_space<semaphore_mem>>)
      %dma_wait3A_61 = arith.constant 0 : i32
      %dma_wait3A_62 = tpu.memref_slice %arg6[%add3A_44, %dma_wait3A_61] : memref<8192x256xf32, #tpu.memory_space<hbm>> -> memref<64x256xf32, #tpu.memory_space<hbm>>
      %dma_wait3A_63 = arith.constant 0 : i32
      %dma_wait3A_64 = tpu.memref_slice %arg6[%add3A_44, %dma_wait3A_63] : memref<8192x256xf32, #tpu.memory_space<hbm>> -> memref<64x256xf32, #tpu.memory_space<hbm>>
      tpu.wait_dma2 semaphore(%run_scoped3A : memref<!tpu.dma_semaphore, #tpu.memory_space<semaphore_mem>>) src(%arg10 : memref<64x256xf32, #tpu.memory_space<vmem>>) dst(%dma_wait3A_64 : memref<64x256xf32, #tpu.memory_space<hbm>>)
      tpu.yield
    }) : () -> ()
    "tpu.region"() ({
      %run_scoped3A = tpu.sem_alloc : memref<!tpu.dma_semaphore, #tpu.memory_space<semaphore_mem>>
      %dma_start3A_57 = arith.constant 0 : i32
      %dma_start3A_58 = tpu.memref_slice %arg7[%add3A_44, %dma_start3A_57] : memref<8192x256xf32, #tpu.memory_space<hbm>> -> memref<64x256xf32, #tpu.memory_space<hbm>>
      %dma_start3A_59 = arith.constant 0 : i32
      %dma_start3A_60 = tpu.memref_slice %arg7[%add3A_44, %dma_start3A_59] : memref<8192x256xf32, #tpu.memory_space<hbm>> -> memref<64x256xf32, #tpu.memory_space<hbm>>
      tpu.enqueue_dma source(%arg11 : memref<64x256xf32, #tpu.memory_space<vmem>>) target(%dma_start3A_60 : memref<64x256xf32, #tpu.memory_space<hbm>>) target_semaphore(%run_scoped3A : memref<!tpu.dma_semaphore, #tpu.memory_space<semaphore_mem>>)
      %dma_wait3A_61 = arith.constant 0 : i32
      %dma_wait3A_62 = tpu.memref_slice %arg7[%add3A_44, %dma_wait3A_61] : memref<8192x256xf32, #tpu.memory_space<hbm>> -> memref<64x256xf32, #tpu.memory_space<hbm>>
      %dma_wait3A_63 = arith.constant 0 : i32
      %dma_wait3A_64 = tpu.memref_slice %arg7[%add3A_44, %dma_wait3A_63] : memref<8192x256xf32, #tpu.memory_space<hbm>> -> memref<64x256xf32, #tpu.memory_space<hbm>>
      tpu.wait_dma2 semaphore(%run_scoped3A : memref<!tpu.dma_semaphore, #tpu.memory_space<semaphore_mem>>) src(%arg11 : memref<64x256xf32, #tpu.memory_space<vmem>>) dst(%dma_wait3A_64 : memref<64x256xf32, #tpu.memory_space<hbm>>)
      tpu.yield
    }) : () -> ()
    return
  }
}

module attributes {stable_mosaic.version = 14 : i64} {
  func.func @_tc_body(%arg0: i32, %arg1: memref<2x512x256xf32, #tpu.memory_space<vmem>>, %arg2: memref<2x512x256xf32, #tpu.memory_space<vmem>>, %arg3: memref<1x256xf32, #tpu.memory_space<vmem>>, %arg4: memref<6x768x256xbf16, #tpu.memory_space<vmem>>, %arg5: memref<6x1x768xf32, #tpu.memory_space<vmem>>, %arg6: memref<6x256x256xbf16, #tpu.memory_space<vmem>>, %arg7: memref<6x1x256xf32, #tpu.memory_space<vmem>>, %arg8: memref<6x1x256xf32, #tpu.memory_space<vmem>>, %arg9: memref<6x1x256xf32, #tpu.memory_space<vmem>>, %arg10: memref<6x1024x256xbf16, #tpu.memory_space<vmem>>, %arg11: memref<6x1x1024xf32, #tpu.memory_space<vmem>>, %arg12: memref<6x256x1024xbf16, #tpu.memory_space<vmem>>, %arg13: memref<6x1x256xf32, #tpu.memory_space<vmem>>, %arg14: memref<6x1x256xf32, #tpu.memory_space<vmem>>, %arg15: memref<6x1x256xf32, #tpu.memory_space<vmem>>, %arg16: memref<1x256xf32, #tpu.memory_space<vmem>>, %arg17: memref<1x256xf32, #tpu.memory_space<vmem>>, %arg18: memref<2x513x256xf32, #tpu.memory_space<vmem>>, %arg19: memref<1040x256xf32, #tpu.memory_space<vmem>>) attributes {dimension_semantics = [#tpu.dimension_semantics<arbitrary>], iteration_bounds = array<i64: 8>, scalar_prefetch = 0 : i64, scratch_operands = 1 : i64, tpu.core_type = #tpu.core_type<tc>, window_params = [{transform_indices = @transform_0, window_bounds = array<i64: 2, 512, 256>}, {transform_indices = @transform_1, window_bounds = array<i64: 2, 512, 256>}, {pipeline_mode = #tpu.pipeline_mode<synchronous>, transform_indices = @transform_2, window_bounds = array<i64: 1, 256>}, {pipeline_mode = #tpu.pipeline_mode<synchronous>, transform_indices = @transform_3, window_bounds = array<i64: 6, 768, 256>}, {pipeline_mode = #tpu.pipeline_mode<synchronous>, transform_indices = @transform_4, window_bounds = array<i64: 6, 1, 768>}, {pipeline_mode = #tpu.pipeline_mode<synchronous>, transform_indices = @transform_5, window_bounds = array<i64: 6, 256, 256>}, {pipeline_mode = #tpu.pipeline_mode<synchronous>, transform_indices = @transform_6, window_bounds = array<i64: 6, 1, 256>}, {pipeline_mode = #tpu.pipeline_mode<synchronous>, transform_indices = @transform_7, window_bounds = array<i64: 6, 1, 256>}, {pipeline_mode = #tpu.pipeline_mode<synchronous>, transform_indices = @transform_8, window_bounds = array<i64: 6, 1, 256>}, {pipeline_mode = #tpu.pipeline_mode<synchronous>, transform_indices = @transform_9, window_bounds = array<i64: 6, 1024, 256>}, {pipeline_mode = #tpu.pipeline_mode<synchronous>, transform_indices = @transform_10, window_bounds = array<i64: 6, 1, 1024>}, {pipeline_mode = #tpu.pipeline_mode<synchronous>, transform_indices = @transform_11, window_bounds = array<i64: 6, 256, 1024>}, {pipeline_mode = #tpu.pipeline_mode<synchronous>, transform_indices = @transform_12, window_bounds = array<i64: 6, 1, 256>}, {pipeline_mode = #tpu.pipeline_mode<synchronous>, transform_indices = @transform_13, window_bounds = array<i64: 6, 1, 256>}, {pipeline_mode = #tpu.pipeline_mode<synchronous>, transform_indices = @transform_14, window_bounds = array<i64: 6, 1, 256>}, {pipeline_mode = #tpu.pipeline_mode<synchronous>, transform_indices = @transform_15, window_bounds = array<i64: 1, 256>}, {pipeline_mode = #tpu.pipeline_mode<synchronous>, transform_indices = @transform_16, window_bounds = array<i64: 1, 256>}, {transform_indices = @transform_17, window_bounds = array<i64: 2, 513, 256>}]} {
    %get3A = arith.constant 0 : index
    %get3A_0 = arith.constant 0 : index
    %get3A_1 = arith.constant 0 : index
    %get3A_2 = vector.load %arg1[%get3A, %get3A_0, %get3A_1] : memref<2x512x256xf32, #tpu.memory_space<vmem>>, vector<1x512x256xf32>
    %get3A_3 = vector.shape_cast %get3A_2 : vector<1x512x256xf32> to vector<512x256xf32>
    %get3A_4 = arith.constant 0 : index
    %get3A_5 = arith.constant 0 : index
    %get3A_6 = arith.constant 0 : index
    %get3A_7 = vector.load %arg2[%get3A_4, %get3A_5, %get3A_6] : memref<2x512x256xf32, #tpu.memory_space<vmem>>, vector<1x512x256xf32>
    %get3A_8 = vector.shape_cast %get3A_7 : vector<1x512x256xf32> to vector<512x256xf32>
    %add3A = arith.addf %get3A_3, %get3A_8 : vector<512x256xf32>
    %swap3A = arith.constant 0 : index
    %swap3A_9 = arith.constant 0 : index
    %swap3A_10 = vector.load %arg19[%swap3A, %swap3A_9] : memref<1040x256xf32, #tpu.memory_space<vmem>>, vector<512x256xf32>
    tpu.vector_store %arg19[%swap3A, %swap3A_9], %add3A {strides = array<i32>} : memref<1040x256xf32, #tpu.memory_space<vmem>>, vector<512x256xf32>,
    %broadcast_in_dim3A = arith.constant 0.000000e+00 : f32
    %broadcast_in_dim3A_11 = vector.broadcast %broadcast_in_dim3A : f32 to vector<8x256xf32>
    %swap3A_12 = arith.constant 512 : index
    %swap3A_13 = arith.constant 0 : index
    %swap3A_14 = vector.load %arg19[%swap3A_12, %swap3A_13] : memref<1040x256xf32, #tpu.memory_space<vmem>>, vector<8x256xf32>
    tpu.vector_store %arg19[%swap3A_12, %swap3A_13], %broadcast_in_dim3A_11 {strides = array<i32>} : memref<1040x256xf32, #tpu.memory_space<vmem>>, vector<8x256xf32>,
    %get3A_15 = arith.constant 0 : index
    %get3A_16 = arith.constant 0 : index
    %get3A_17 = vector.load %arg3[%get3A_15, %get3A_16] : memref<1x256xf32, #tpu.memory_space<vmem>>, vector<1x256xf32>
    %swap3A_18 = arith.constant 512 : index
    %swap3A_19 = arith.constant 0 : index
    %swap3A_20 = vector.load %arg19[%swap3A_18, %swap3A_19] : memref<1040x256xf32, #tpu.memory_space<vmem>>, vector<1x256xf32>
    tpu.vector_store %arg19[%swap3A_18, %swap3A_19], %get3A_17 {strides = array<i32>} : memref<1040x256xf32, #tpu.memory_space<vmem>>, vector<1x256xf32>,
    %get3A_21 = arith.constant 1 : index
    %get3A_22 = arith.constant 0 : index
    %get3A_23 = arith.constant 0 : index
    %get3A_24 = vector.load %arg1[%get3A_21, %get3A_22, %get3A_23] : memref<2x512x256xf32, #tpu.memory_space<vmem>>, vector<1x512x256xf32>
    %get3A_25 = vector.shape_cast %get3A_24 : vector<1x512x256xf32> to vector<512x256xf32>
    %get3A_26 = arith.constant 1 : index
    %get3A_27 = arith.constant 0 : index
    %get3A_28 = arith.constant 0 : index
    %get3A_29 = vector.load %arg2[%get3A_26, %get3A_27, %get3A_28] : memref<2x512x256xf32, #tpu.memory_space<vmem>>, vector<1x512x256xf32>
    %get3A_30 = vector.shape_cast %get3A_29 : vector<1x512x256xf32> to vector<512x256xf32>
    %add3A_31 = arith.addf %get3A_25, %get3A_30 : vector<512x256xf32>
    %swap3A_32 = arith.constant 520 : index
    %swap3A_33 = arith.constant 0 : index
    %swap3A_34 = vector.load %arg19[%swap3A_32, %swap3A_33] : memref<1040x256xf32, #tpu.memory_space<vmem>>, vector<512x256xf32>
    tpu.vector_store %arg19[%swap3A_32, %swap3A_33], %add3A_31 {strides = array<i32>} : memref<1040x256xf32, #tpu.memory_space<vmem>>, vector<512x256xf32>,
    %broadcast_in_dim3A_35 = arith.constant 0.000000e+00 : f32
    %broadcast_in_dim3A_36 = vector.broadcast %broadcast_in_dim3A_35 : f32 to vector<8x256xf32>
    %swap3A_37 = arith.constant 1032 : index
    %swap3A_38 = arith.constant 0 : index
    %swap3A_39 = vector.load %arg19[%swap3A_37, %swap3A_38] : memref<1040x256xf32, #tpu.memory_space<vmem>>, vector<8x256xf32>
    tpu.vector_store %arg19[%swap3A_37, %swap3A_38], %broadcast_in_dim3A_36 {strides = array<i32>} : memref<1040x256xf32, #tpu.memory_space<vmem>>, vector<8x256xf32>,
    %get3A_40 = arith.constant 0 : index
    %get3A_41 = arith.constant 0 : index
    %get3A_42 = vector.load %arg3[%get3A_40, %get3A_41] : memref<1x256xf32, #tpu.memory_space<vmem>>, vector<1x256xf32>
    %swap3A_43 = arith.constant 1032 : index
    %swap3A_44 = arith.constant 0 : index
    %swap3A_45 = vector.load %arg19[%swap3A_43, %swap3A_44] : memref<1040x256xf32, #tpu.memory_space<vmem>>, vector<1x256xf32>
    tpu.vector_store %arg19[%swap3A_43, %swap3A_44], %get3A_42 {strides = array<i32>} : memref<1040x256xf32, #tpu.memory_space<vmem>>, vector<1x256xf32>,
    %get3A_46 = arith.constant 0 : index
    %get3A_47 = arith.constant 0 : index
    %get3A_48 = vector.load %arg19[%get3A_46, %get3A_47] : memref<1040x256xf32, #tpu.memory_space<vmem>>, vector<520x256xf32>
    %get3A_49 = arith.constant 520 : index
    %get3A_50 = arith.constant 0 : index
    %get3A_51 = vector.load %arg19[%get3A_49, %get3A_50] : memref<1040x256xf32, #tpu.memory_space<vmem>>, vector<520x256xf32>
    %broadcast_in_dim3A_52 = arith.constant 1.000000e+00 : bf16
    %broadcast_in_dim3A_53 = vector.broadcast %broadcast_in_dim3A_52 : bf16 to vector<512x8xbf16>
    %iota3A = tpu.iota {dimensions = array<i32: 0>} : vector<256x8xi32>
    %jit3A = arith.constant 32 : i32
    %div3A = vector.broadcast %jit3A : i32 to vector<256x8xi32>
    %div3A_54 = arith.divsi %iota3A, %div3A : vector<256x8xi32>
    %sign3A = arith.constant 0 : i32
    %sign3A_55 = vector.broadcast %sign3A : i32 to vector<256x8xi32>
    %sign3A_56 = arith.cmpi sgt, %iota3A, %sign3A_55 : vector<256x8xi32>
    %sign3A_57 = arith.extui %sign3A_56 : vector<256x8xi1> to vector<256x8xi32>
    %sign3A_58 = arith.constant 0 : i32
    %sign3A_59 = vector.broadcast %sign3A_58 : i32 to vector<256x8xi32>
    %sign3A_60 = arith.cmpi slt, %iota3A, %sign3A_59 : vector<256x8xi32>
    %sign3A_61 = arith.extui %sign3A_60 : vector<256x8xi1> to vector<256x8xi32>
    %sign3A_62 = arith.subi %sign3A_57, %sign3A_61 : vector<256x8xi32>
    %sign3A_63 = arith.constant 0 : i32
    %sign3A_64 = arith.cmpi sgt, %jit3A, %sign3A_63 : i32
    %sign3A_65 = arith.extui %sign3A_64 : i1 to i32
    %sign3A_66 = arith.constant 0 : i32
    %sign3A_67 = arith.cmpi slt, %jit3A, %sign3A_66 : i32
    %sign3A_68 = arith.extui %sign3A_67 : i1 to i32
    %sign3A_69 = arith.subi %sign3A_65, %sign3A_68 : i32
    %ne3A = vector.broadcast %sign3A_69 : i32 to vector<256x8xi32>
    %ne3A_70 = arith.cmpi ne, %sign3A_62, %ne3A : vector<256x8xi32>
    %rem3A = vector.broadcast %jit3A : i32 to vector<256x8xi32>
    %rem3A_71 = arith.remsi %iota3A, %rem3A : vector<256x8xi32>
    %ne3A_72 = arith.constant 0 : i32
    %ne3A_73 = vector.broadcast %ne3A_72 : i32 to vector<256x8xi32>
    %ne3A_74 = arith.cmpi ne, %rem3A_71, %ne3A_73 : vector<256x8xi32>
    %and3A = arith.andi %ne3A_70, %ne3A_74 : vector<256x8xi1>
    %sub3A = arith.constant 1 : i32
    %sub3A_75 = vector.broadcast %sub3A : i32 to vector<256x8xi32>
    %sub3A_76 = arith.subi %div3A_54, %sub3A_75 : vector<256x8xi32>
    %select_n3A = arith.select %and3A, %sub3A_76, %div3A_54 : vector<256x8xi1>, vector<256x8xi32>
    %iota3A_77 = tpu.iota {dimensions = array<i32: 1>} : vector<256x8xi32>
    %eq3A = arith.cmpi eq, %select_n3A, %iota3A_77 : vector<256x8xi32>
    %convert_element_type3A = arith.extui %eq3A : vector<256x8xi1> to vector<256x8xi32>
    %convert_element_type3A_78 = arith.sitofp %convert_element_type3A : vector<256x8xi32> to vector<256x8xf32>
    %convert_element_type3A_79 = arith.truncf %convert_element_type3A_78 : vector<256x8xf32> to vector<256x8xbf16>
    %iota3A_80 = tpu.iota {dimensions = array<i32: 0>} : vector<8x256xi32>
    %iota3A_81 = tpu.iota {dimensions = array<i32: 1>} : vector<8x256xi32>
    %jit3A_82 = arith.constant 32 : i32
    %div3A_83 = vector.broadcast %jit3A_82 : i32 to vector<8x256xi32>
    %div3A_84 = arith.divsi %iota3A_81, %div3A_83 : vector<8x256xi32>
    %sign3A_85 = arith.constant 0 : i32
    %sign3A_86 = vector.broadcast %sign3A_85 : i32 to vector<8x256xi32>
    %sign3A_87 = arith.cmpi sgt, %iota3A_81, %sign3A_86 : vector<8x256xi32>
    %sign3A_88 = arith.extui %sign3A_87 : vector<8x256xi1> to vector<8x256xi32>
    %sign3A_89 = arith.constant 0 : i32
    %sign3A_90 = vector.broadcast %sign3A_89 : i32 to vector<8x256xi32>
    %sign3A_91 = arith.cmpi slt, %iota3A_81, %sign3A_90 : vector<8x256xi32>
    %sign3A_92 = arith.extui %sign3A_91 : vector<8x256xi1> to vector<8x256xi32>
    %sign3A_93 = arith.subi %sign3A_88, %sign3A_92 : vector<8x256xi32>
    %sign3A_94 = arith.constant 0 : i32
    %sign3A_95 = arith.cmpi sgt, %jit3A_82, %sign3A_94 : i32
    %sign3A_96 = arith.extui %sign3A_95 : i1 to i32
    %sign3A_97 = arith.constant 0 : i32
    %sign3A_98 = arith.cmpi slt, %jit3A_82, %sign3A_97 : i32
    %sign3A_99 = arith.extui %sign3A_98 : i1 to i32
    %sign3A_100 = arith.subi %sign3A_96, %sign3A_99 : i32
    %ne3A_101 = vector.broadcast %sign3A_100 : i32 to vector<8x256xi32>
    %ne3A_102 = arith.cmpi ne, %sign3A_93, %ne3A_101 : vector<8x256xi32>
    %rem3A_103 = vector.broadcast %jit3A_82 : i32 to vector<8x256xi32>
    %rem3A_104 = arith.remsi %iota3A_81, %rem3A_103 : vector<8x256xi32>
    %ne3A_105 = arith.constant 0 : i32
    %ne3A_106 = vector.broadcast %ne3A_105 : i32 to vector<8x256xi32>
    %ne3A_107 = arith.cmpi ne, %rem3A_104, %ne3A_106 : vector<8x256xi32>
    %and3A_108 = arith.andi %ne3A_102, %ne3A_107 : vector<8x256xi1>
    %sub3A_109 = arith.constant 1 : i32
    %sub3A_110 = vector.broadcast %sub3A_109 : i32 to vector<8x256xi32>
    %sub3A_111 = arith.subi %div3A_84, %sub3A_110 : vector<8x256xi32>
    %select_n3A_112 = arith.select %and3A_108, %sub3A_111, %div3A_84 : vector<8x256xi1>, vector<8x256xi32>
    %eq3A_113 = arith.cmpi eq, %iota3A_80, %select_n3A_112 : vector<8x256xi32>
    %convert_element_type3A_114 = arith.extui %eq3A_113 : vector<8x256xi1> to vector<8x256xi32>
    %convert_element_type3A_115 = arith.sitofp %convert_element_type3A_114 : vector<8x256xi32> to vector<8x256xf32>
    %convert_element_type3A_116 = arith.truncf %convert_element_type3A_115 : vector<8x256xf32> to vector<8x256xbf16>
    %scan3A = arith.constant 0 : i32
    %scan3A_117 = arith.constant 6 : i32
    %scan3A_118 = arith.addi %scan3A, %scan3A_117 : i32
    %scan3A_119 = arith.constant 1 : i32
    %scan3A_120:2 = scf.for %scan3A_211 = %scan3A to %scan3A_118 step %scan3A_119 iter_args(%scan3A_212 = %get3A_48, %scan3A_213 = %get3A_51) -> (vector<520x256xf32>, vector<520x256xf32>)  : i32 {
      %get3A_214 = arith.index_cast %scan3A_211 : i32 to index
      %get3A_215 = arith.constant 0 : index
      %get3A_216 = arith.constant 0 : index
      %get3A_217 = vector.load %arg4[%get3A_214, %get3A_215, %get3A_216] : memref<6x768x256xbf16, #tpu.memory_space<vmem>>, vector<1x768x256xbf16>
      %get3A_218 = vector.shape_cast %get3A_217 : vector<1x768x256xbf16> to vector<768x256xbf16>
      %get3A_219 = arith.index_cast %scan3A_211 : i32 to index
      %get3A_220 = arith.constant 0 : index
      %get3A_221 = arith.constant 0 : index
      %get3A_222 = vector.load %arg5[%get3A_219, %get3A_220, %get3A_221] : memref<6x1x768xf32, #tpu.memory_space<vmem>>, vector<1x1x768xf32>
      %get3A_223 = vector.shape_cast %get3A_222 : vector<1x1x768xf32> to vector<1x768xf32>
      %get3A_224 = arith.index_cast %scan3A_211 : i32 to index
      %get3A_225 = arith.constant 0 : index
      %get3A_226 = arith.constant 0 : index
      %get3A_227 = vector.load %arg6[%get3A_224, %get3A_225, %get3A_226] : memref<6x256x256xbf16, #tpu.memory_space<vmem>>, vector<1x256x256xbf16>
      %get3A_228 = vector.shape_cast %get3A_227 : vector<1x256x256xbf16> to vector<256x256xbf16>
      %get3A_229 = arith.index_cast %scan3A_211 : i32 to index
      %get3A_230 = arith.constant 0 : index
      %get3A_231 = arith.constant 0 : index
      %get3A_232 = vector.load %arg7[%get3A_229, %get3A_230, %get3A_231] : memref<6x1x256xf32, #tpu.memory_space<vmem>>, vector<1x1x256xf32>
      %get3A_233 = vector.shape_cast %get3A_232 : vector<1x1x256xf32> to vector<1x256xf32>
      %get3A_234 = arith.index_cast %scan3A_211 : i32 to index
      %get3A_235 = arith.constant 0 : index
      %get3A_236 = arith.constant 0 : index
      %get3A_237 = vector.load %arg8[%get3A_234, %get3A_235, %get3A_236] : memref<6x1x256xf32, #tpu.memory_space<vmem>>, vector<1x1x256xf32>
      %get3A_238 = vector.shape_cast %get3A_237 : vector<1x1x256xf32> to vector<1x256xf32>
      %get3A_239 = arith.index_cast %scan3A_211 : i32 to index
      %get3A_240 = arith.constant 0 : index
      %get3A_241 = arith.constant 0 : index
      %get3A_242 = vector.load %arg9[%get3A_239, %get3A_240, %get3A_241] : memref<6x1x256xf32, #tpu.memory_space<vmem>>, vector<1x1x256xf32>
      %get3A_243 = vector.shape_cast %get3A_242 : vector<1x1x256xf32> to vector<1x256xf32>
      %get3A_244 = arith.index_cast %scan3A_211 : i32 to index
      %get3A_245 = arith.constant 0 : index
      %get3A_246 = arith.constant 0 : index
      %get3A_247 = vector.load %arg10[%get3A_244, %get3A_245, %get3A_246] : memref<6x1024x256xbf16, #tpu.memory_space<vmem>>, vector<1x1024x256xbf16>
      %get3A_248 = vector.shape_cast %get3A_247 : vector<1x1024x256xbf16> to vector<1024x256xbf16>
      %get3A_249 = arith.index_cast %scan3A_211 : i32 to index
      %get3A_250 = arith.constant 0 : index
      %get3A_251 = arith.constant 0 : index
      %get3A_252 = vector.load %arg11[%get3A_249, %get3A_250, %get3A_251] : memref<6x1x1024xf32, #tpu.memory_space<vmem>>, vector<1x1x1024xf32>
      %get3A_253 = vector.shape_cast %get3A_252 : vector<1x1x1024xf32> to vector<1x1024xf32>
      %get3A_254 = arith.index_cast %scan3A_211 : i32 to index
      %get3A_255 = arith.constant 0 : index
      %get3A_256 = arith.constant 0 : index
      %get3A_257 = vector.load %arg12[%get3A_254, %get3A_255, %get3A_256] : memref<6x256x1024xbf16, #tpu.memory_space<vmem>>, vector<1x256x1024xbf16>
      %get3A_258 = vector.shape_cast %get3A_257 : vector<1x256x1024xbf16> to vector<256x1024xbf16>
      %get3A_259 = arith.index_cast %scan3A_211 : i32 to index
      %get3A_260 = arith.constant 0 : index
      %get3A_261 = arith.constant 0 : index
      %get3A_262 = vector.load %arg13[%get3A_259, %get3A_260, %get3A_261] : memref<6x1x256xf32, #tpu.memory_space<vmem>>, vector<1x1x256xf32>
      %get3A_263 = vector.shape_cast %get3A_262 : vector<1x1x256xf32> to vector<1x256xf32>
      %get3A_264 = arith.index_cast %scan3A_211 : i32 to index
      %get3A_265 = arith.constant 0 : index
      %get3A_266 = arith.constant 0 : index
      %get3A_267 = vector.load %arg14[%get3A_264, %get3A_265, %get3A_266] : memref<6x1x256xf32, #tpu.memory_space<vmem>>, vector<1x1x256xf32>
      %get3A_268 = vector.shape_cast %get3A_267 : vector<1x1x256xf32> to vector<1x256xf32>
      %get3A_269 = arith.index_cast %scan3A_211 : i32 to index
      %get3A_270 = arith.constant 0 : index
      %get3A_271 = arith.constant 0 : index
      %get3A_272 = vector.load %arg15[%get3A_269, %get3A_270, %get3A_271] : memref<6x1x256xf32, #tpu.memory_space<vmem>>, vector<1x1x256xf32>
      %get3A_273 = vector.shape_cast %get3A_272 : vector<1x1x256xf32> to vector<1x256xf32>
      %reduce_sum3A_274 = arith.constant dense<0.000000e+00> : vector<520xf32>
      %reduce_sum3A_275 = vector.multi_reduction <add>, %scan3A_212, %reduce_sum3A_274 [1] : vector<520x256xf32> to vector<520xf32>
      %broadcast_in_dim3A_276 = vector.shape_cast %reduce_sum3A_275 : vector<520xf32> to vector<520x1xf32>
      %div3A_277 = arith.constant 2.560000e+02 : f32
      %div3A_278 = vector.broadcast %div3A_277 : f32 to vector<520x1xf32>
      %div3A_279 = arith.divf %broadcast_in_dim3A_276, %div3A_278 : vector<520x1xf32>
      %sub3A_280 = vector.broadcast %div3A_279 : vector<520x1xf32> to vector<520x256xf32>
      %sub3A_281 = arith.subf %scan3A_212, %sub3A_280 : vector<520x256xf32>
      %integer_pow3A_282 = arith.mulf %sub3A_281, %sub3A_281 : vector<520x256xf32>
      %reduce_sum3A_283 = arith.constant dense<0.000000e+00> : vector<520xf32>
      %reduce_sum3A_284 = vector.multi_reduction <add>, %integer_pow3A_282, %reduce_sum3A_283 [1] : vector<520x256xf32> to vector<520xf32>
      %broadcast_in_dim3A_285 = vector.shape_cast %reduce_sum3A_284 : vector<520xf32> to vector<520x1xf32>
      %div3A_286 = arith.constant 2.560000e+02 : f32
      %div3A_287 = vector.broadcast %div3A_286 : f32 to vector<520x1xf32>
      %div3A_288 = arith.divf %broadcast_in_dim3A_285, %div3A_287 : vector<520x1xf32>
      %sub3A_289 = vector.broadcast %div3A_279 : vector<520x1xf32> to vector<520x256xf32>
      %sub3A_290 = arith.subf %scan3A_212, %sub3A_289 : vector<520x256xf32>
      %add3A_291 = arith.constant 9.99999974E-6 : f32
      %add3A_292 = vector.broadcast %add3A_291 : f32 to vector<520x1xf32>
      %add3A_293 = arith.addf %div3A_288, %add3A_292 : vector<520x1xf32>
      %sqrt3A_294 = math.sqrt %add3A_293 : vector<520x1xf32>
      %div3A_295 = vector.broadcast %sqrt3A_294 : vector<520x1xf32> to vector<520x256xf32>
      %div3A_296 = arith.divf %sub3A_290, %div3A_295 : vector<520x256xf32>
      %mul3A_297 = vector.broadcast %get3A_238 : vector<1x256xf32> to vector<520x256xf32>
      %mul3A_298 = arith.mulf %div3A_296, %mul3A_297 : vector<520x256xf32>
      %add3A_299 = vector.broadcast %get3A_243 : vector<1x256xf32> to vector<520x256xf32>
      %add3A_300 = arith.addf %mul3A_298, %add3A_299 : vector<520x256xf32>
      %convert_element_type3A_301 = arith.truncf %add3A_300 : vector<520x256xf32> to vector<520x256xbf16>
      %dot_general3A = arith.constant dense<0.000000e+00> : vector<520x768xf32>
      %dot_general3A_302 = tpu.matmul %convert_element_type3A_301, %get3A_218, %dot_general3A {dimension_numbers = #tpu.dot_dimension_numbers<[1], [1], [0], [0], [0, 0, 1, 0], [], []>, transpose_lhs_hint = false} : vector<520x256xbf16>, vector<768x256xbf16>, vector<520x768xf32> -> vector<520x768xf32>
      %add3A_303 = vector.broadcast %get3A_223 : vector<1x768xf32> to vector<520x768xf32>
      %add3A_304 = arith.addf %dot_general3A_302, %add3A_303 : vector<520x768xf32>
      %convert_element_type3A_305 = arith.truncf %add3A_304 : vector<520x768xf32> to vector<520x768xbf16>
      %slice3A_306 = vector.extract_strided_slice %add3A_304 {offsets = [512, 256], sizes = [1, 256], strides = [1, 1]} : vector<520x768xf32> to vector<1x256xf32>
      %slice3A_307 = vector.extract_strided_slice %add3A_304 {offsets = [0, 0], sizes = [520, 256], strides = [1, 1]} : vector<520x768xf32> to vector<520x256xf32>
      %mul3A_308 = vector.broadcast %slice3A_306 : vector<1x256xf32> to vector<520x256xf32>
      %mul3A_309 = arith.mulf %slice3A_307, %mul3A_308 : vector<520x256xf32>
      %convert_element_type3A_310 = arith.truncf %mul3A_309 : vector<520x256xf32> to vector<520x256xbf16>
      %dot_general3A_311 = arith.constant dense<0.000000e+00> : vector<520x8xf32>
      %dot_general3A_312 = tpu.matmul %convert_element_type3A_310, %convert_element_type3A_79, %dot_general3A_311 {dimension_numbers = #tpu.dot_dimension_numbers<[1], [0], [0], [1], [0, 0, 1, 1], [], []>, transpose_lhs_hint = false} : vector<520x256xbf16>, vector<256x8xbf16>, vector<520x8xf32> -> vector<520x8xf32>
      %exp23A = math.exp2 %dot_general3A_312 : vector<520x8xf32>
      %slice3A_313 = vector.extract_strided_slice %convert_element_type3A_305 {offsets = [0, 0], sizes = [520, 32], strides = [1, 1]} : vector<520x768xbf16> to vector<520x32xbf16>
      %slice3A_314 = vector.extract_strided_slice %convert_element_type3A_305 {offsets = [0, 256], sizes = [512, 32], strides = [1, 1]} : vector<520x768xbf16> to vector<512x32xbf16>
      %slice3A_315 = vector.extract_strided_slice %convert_element_type3A_305 {offsets = [0, 512], sizes = [512, 32], strides = [1, 1]} : vector<520x768xbf16> to vector<512x32xbf16>
      %dot_general3A_316 = arith.constant dense<0.000000e+00> : vector<520x512xf32>
      %dot_general3A_317 = tpu.matmul %slice3A_313, %slice3A_314, %dot_general3A_316 {dimension_numbers = #tpu.dot_dimension_numbers<[1], [1], [0], [0], [0, 0, 1, 0], [], []>, transpose_lhs_hint = false} : vector<520x32xbf16>, vector<512x32xbf16>, vector<520x512xf32> -> vector<520x512xf32>
      %exp23A_318 = math.exp2 %dot_general3A_317 : vector<520x512xf32>
      %convert_element_type3A_319 = arith.truncf %exp23A_318 : vector<520x512xf32> to vector<520x512xbf16>
      %concatenate3A = tpu.concatenate %slice3A_315, %broadcast_in_dim3A_53 in 1 : vector<512x32xbf16>, vector<512x8xbf16> -> vector<512x40xbf16>
      %dot_general3A_320 = arith.constant dense<0.000000e+00> : vector<520x40xf32>
      %dot_general3A_321 = tpu.matmul %convert_element_type3A_319, %concatenate3A, %dot_general3A_320 {dimension_numbers = #tpu.dot_dimension_numbers<[1], [0], [0], [1], [0, 0, 1, 1], [], []>, transpose_lhs_hint = false} : vector<520x512xbf16>, vector<512x40xbf16>, vector<520x40xf32> -> vector<520x40xf32>
      %slice3A_322 = vector.extract_strided_slice %convert_element_type3A_305 {offsets = [0, 32], sizes = [520, 32], strides = [1, 1]} : vector<520x768xbf16> to vector<520x32xbf16>
      %slice3A_323 = vector.extract_strided_slice %convert_element_type3A_305 {offsets = [0, 288], sizes = [512, 32], strides = [1, 1]} : vector<520x768xbf16> to vector<512x32xbf16>
      %slice3A_324 = vector.extract_strided_slice %convert_element_type3A_305 {offsets = [0, 544], sizes = [512, 32], strides = [1, 1]} : vector<520x768xbf16> to vector<512x32xbf16>
      %dot_general3A_325 = arith.constant dense<0.000000e+00> : vector<520x512xf32>
      %dot_general3A_326 = tpu.matmul %slice3A_322, %slice3A_323, %dot_general3A_325 {dimension_numbers = #tpu.dot_dimension_numbers<[1], [1], [0], [0], [0, 0, 1, 0], [], []>, transpose_lhs_hint = false} : vector<520x32xbf16>, vector<512x32xbf16>, vector<520x512xf32> -> vector<520x512xf32>
      %exp23A_327 = math.exp2 %dot_general3A_326 : vector<520x512xf32>
      %convert_element_type3A_328 = arith.truncf %exp23A_327 : vector<520x512xf32> to vector<520x512xbf16>
      %concatenate3A_329 = tpu.concatenate %slice3A_324, %broadcast_in_dim3A_53 in 1 : vector<512x32xbf16>, vector<512x8xbf16> -> vector<512x40xbf16>
      %dot_general3A_330 = arith.constant dense<0.000000e+00> : vector<520x40xf32>
      %dot_general3A_331 = tpu.matmul %convert_element_type3A_328, %concatenate3A_329, %dot_general3A_330 {dimension_numbers = #tpu.dot_dimension_numbers<[1], [0], [0], [1], [0, 0, 1, 1], [], []>, transpose_lhs_hint = false} : vector<520x512xbf16>, vector<512x40xbf16>, vector<520x40xf32> -> vector<520x40xf32>
      %slice3A_332 = vector.extract_strided_slice %convert_element_type3A_305 {offsets = [0, 64], sizes = [520, 32], strides = [1, 1]} : vector<520x768xbf16> to vector<520x32xbf16>
      %slice3A_333 = vector.extract_strided_slice %convert_element_type3A_305 {offsets = [0, 320], sizes = [512, 32], strides = [1, 1]} : vector<520x768xbf16> to vector<512x32xbf16>
      %slice3A_334 = vector.extract_strided_slice %convert_element_type3A_305 {offsets = [0, 576], sizes = [512, 32], strides = [1, 1]} : vector<520x768xbf16> to vector<512x32xbf16>
      %dot_general3A_335 = arith.constant dense<0.000000e+00> : vector<520x512xf32>
      %dot_general3A_336 = tpu.matmul %slice3A_332, %slice3A_333, %dot_general3A_335 {dimension_numbers = #tpu.dot_dimension_numbers<[1], [1], [0], [0], [0, 0, 1, 0], [], []>, transpose_lhs_hint = false} : vector<520x32xbf16>, vector<512x32xbf16>, vector<520x512xf32> -> vector<520x512xf32>
      %exp23A_337 = math.exp2 %dot_general3A_336 : vector<520x512xf32>
      %convert_element_type3A_338 = arith.truncf %exp23A_337 : vector<520x512xf32> to vector<520x512xbf16>
      %concatenate3A_339 = tpu.concatenate %slice3A_334, %broadcast_in_dim3A_53 in 1 : vector<512x32xbf16>, vector<512x8xbf16> -> vector<512x40xbf16>
      %dot_general3A_340 = arith.constant dense<0.000000e+00> : vector<520x40xf32>
      %dot_general3A_341 = tpu.matmul %convert_element_type3A_338, %concatenate3A_339, %dot_general3A_340 {dimension_numbers = #tpu.dot_dimension_numbers<[1], [0], [0], [1], [0, 0, 1, 1], [], []>, transpose_lhs_hint = false} : vector<520x512xbf16>, vector<512x40xbf16>, vector<520x40xf32> -> vector<520x40xf32>
      %slice3A_342 = vector.extract_strided_slice %convert_element_type3A_305 {offsets = [0, 96], sizes = [520, 32], strides = [1, 1]} : vector<520x768xbf16> to vector<520x32xbf16>
      %slice3A_343 = vector.extract_strided_slice %convert_element_type3A_305 {offsets = [0, 352], sizes = [512, 32], strides = [1, 1]} : vector<520x768xbf16> to vector<512x32xbf16>
      %slice3A_344 = vector.extract_strided_slice %convert_element_type3A_305 {offsets = [0, 608], sizes = [512, 32], strides = [1, 1]} : vector<520x768xbf16> to vector<512x32xbf16>
      %dot_general3A_345 = arith.constant dense<0.000000e+00> : vector<520x512xf32>
      %dot_general3A_346 = tpu.matmul %slice3A_342, %slice3A_343, %dot_general3A_345 {dimension_numbers = #tpu.dot_dimension_numbers<[1], [1], [0], [0], [0, 0, 1, 0], [], []>, transpose_lhs_hint = false} : vector<520x32xbf16>, vector<512x32xbf16>, vector<520x512xf32> -> vector<520x512xf32>
      %exp23A_347 = math.exp2 %dot_general3A_346 : vector<520x512xf32>
      %convert_element_type3A_348 = arith.truncf %exp23A_347 : vector<520x512xf32> to vector<520x512xbf16>
      %concatenate3A_349 = tpu.concatenate %slice3A_344, %broadcast_in_dim3A_53 in 1 : vector<512x32xbf16>, vector<512x8xbf16> -> vector<512x40xbf16>
      %dot_general3A_350 = arith.constant dense<0.000000e+00> : vector<520x40xf32>
      %dot_general3A_351 = tpu.matmul %convert_element_type3A_348, %concatenate3A_349, %dot_general3A_350 {dimension_numbers = #tpu.dot_dimension_numbers<[1], [0], [0], [1], [0, 0, 1, 1], [], []>, transpose_lhs_hint = false} : vector<520x512xbf16>, vector<512x40xbf16>, vector<520x40xf32> -> vector<520x40xf32>
      %slice3A_352 = vector.extract_strided_slice %convert_element_type3A_305 {offsets = [0, 128], sizes = [520, 32], strides = [1, 1]} : vector<520x768xbf16> to vector<520x32xbf16>
      %slice3A_353 = vector.extract_strided_slice %convert_element_type3A_305 {offsets = [0, 384], sizes = [512, 32], strides = [1, 1]} : vector<520x768xbf16> to vector<512x32xbf16>
      %slice3A_354 = vector.extract_strided_slice %convert_element_type3A_305 {offsets = [0, 640], sizes = [512, 32], strides = [1, 1]} : vector<520x768xbf16> to vector<512x32xbf16>
      %dot_general3A_355 = arith.constant dense<0.000000e+00> : vector<520x512xf32>
      %dot_general3A_356 = tpu.matmul %slice3A_352, %slice3A_353, %dot_general3A_355 {dimension_numbers = #tpu.dot_dimension_numbers<[1], [1], [0], [0], [0, 0, 1, 0], [], []>, transpose_lhs_hint = false} : vector<520x32xbf16>, vector<512x32xbf16>, vector<520x512xf32> -> vector<520x512xf32>
      %exp23A_357 = math.exp2 %dot_general3A_356 : vector<520x512xf32>
      %convert_element_type3A_358 = arith.truncf %exp23A_357 : vector<520x512xf32> to vector<520x512xbf16>
      %concatenate3A_359 = tpu.concatenate %slice3A_354, %broadcast_in_dim3A_53 in 1 : vector<512x32xbf16>, vector<512x8xbf16> -> vector<512x40xbf16>
      %dot_general3A_360 = arith.constant dense<0.000000e+00> : vector<520x40xf32>
      %dot_general3A_361 = tpu.matmul %convert_element_type3A_358, %concatenate3A_359, %dot_general3A_360 {dimension_numbers = #tpu.dot_dimension_numbers<[1], [0], [0], [1], [0, 0, 1, 1], [], []>, transpose_lhs_hint = false} : vector<520x512xbf16>, vector<512x40xbf16>, vector<520x40xf32> -> vector<520x40xf32>
      %slice3A_362 = vector.extract_strided_slice %convert_element_type3A_305 {offsets = [0, 160], sizes = [520, 32], strides = [1, 1]} : vector<520x768xbf16> to vector<520x32xbf16>
      %slice3A_363 = vector.extract_strided_slice %convert_element_type3A_305 {offsets = [0, 416], sizes = [512, 32], strides = [1, 1]} : vector<520x768xbf16> to vector<512x32xbf16>
      %slice3A_364 = vector.extract_strided_slice %convert_element_type3A_305 {offsets = [0, 672], sizes = [512, 32], strides = [1, 1]} : vector<520x768xbf16> to vector<512x32xbf16>
      %dot_general3A_365 = arith.constant dense<0.000000e+00> : vector<520x512xf32>
      %dot_general3A_366 = tpu.matmul %slice3A_362, %slice3A_363, %dot_general3A_365 {dimension_numbers = #tpu.dot_dimension_numbers<[1], [1], [0], [0], [0, 0, 1, 0], [], []>, transpose_lhs_hint = false} : vector<520x32xbf16>, vector<512x32xbf16>, vector<520x512xf32> -> vector<520x512xf32>
      %exp23A_367 = math.exp2 %dot_general3A_366 : vector<520x512xf32>
      %convert_element_type3A_368 = arith.truncf %exp23A_367 : vector<520x512xf32> to vector<520x512xbf16>
      %concatenate3A_369 = tpu.concatenate %slice3A_364, %broadcast_in_dim3A_53 in 1 : vector<512x32xbf16>, vector<512x8xbf16> -> vector<512x40xbf16>
      %dot_general3A_370 = arith.constant dense<0.000000e+00> : vector<520x40xf32>
      %dot_general3A_371 = tpu.matmul %convert_element_type3A_368, %concatenate3A_369, %dot_general3A_370 {dimension_numbers = #tpu.dot_dimension_numbers<[1], [0], [0], [1], [0, 0, 1, 1], [], []>, transpose_lhs_hint = false} : vector<520x512xbf16>, vector<512x40xbf16>, vector<520x40xf32> -> vector<520x40xf32>
      %slice3A_372 = vector.extract_strided_slice %convert_element_type3A_305 {offsets = [0, 192], sizes = [520, 32], strides = [1, 1]} : vector<520x768xbf16> to vector<520x32xbf16>
      %slice3A_373 = vector.extract_strided_slice %convert_element_type3A_305 {offsets = [0, 448], sizes = [512, 32], strides = [1, 1]} : vector<520x768xbf16> to vector<512x32xbf16>
      %slice3A_374 = vector.extract_strided_slice %convert_element_type3A_305 {offsets = [0, 704], sizes = [512, 32], strides = [1, 1]} : vector<520x768xbf16> to vector<512x32xbf16>
      %dot_general3A_375 = arith.constant dense<0.000000e+00> : vector<520x512xf32>
      %dot_general3A_376 = tpu.matmul %slice3A_372, %slice3A_373, %dot_general3A_375 {dimension_numbers = #tpu.dot_dimension_numbers<[1], [1], [0], [0], [0, 0, 1, 0], [], []>, transpose_lhs_hint = false} : vector<520x32xbf16>, vector<512x32xbf16>, vector<520x512xf32> -> vector<520x512xf32>
      %exp23A_377 = math.exp2 %dot_general3A_376 : vector<520x512xf32>
      %convert_element_type3A_378 = arith.truncf %exp23A_377 : vector<520x512xf32> to vector<520x512xbf16>
      %concatenate3A_379 = tpu.concatenate %slice3A_374, %broadcast_in_dim3A_53 in 1 : vector<512x32xbf16>, vector<512x8xbf16> -> vector<512x40xbf16>
      %dot_general3A_380 = arith.constant dense<0.000000e+00> : vector<520x40xf32>
      %dot_general3A_381 = tpu.matmul %convert_element_type3A_378, %concatenate3A_379, %dot_general3A_380 {dimension_numbers = #tpu.dot_dimension_numbers<[1], [0], [0], [1], [0, 0, 1, 1], [], []>, transpose_lhs_hint = false} : vector<520x512xbf16>, vector<512x40xbf16>, vector<520x40xf32> -> vector<520x40xf32>
      %slice3A_382 = vector.extract_strided_slice %convert_element_type3A_305 {offsets = [0, 224], sizes = [520, 32], strides = [1, 1]} : vector<520x768xbf16> to vector<520x32xbf16>
      %slice3A_383 = vector.extract_strided_slice %convert_element_type3A_305 {offsets = [0, 480], sizes = [512, 32], strides = [1, 1]} : vector<520x768xbf16> to vector<512x32xbf16>
      %slice3A_384 = vector.extract_strided_slice %convert_element_type3A_305 {offsets = [0, 736], sizes = [512, 32], strides = [1, 1]} : vector<520x768xbf16> to vector<512x32xbf16>
      %dot_general3A_385 = arith.constant dense<0.000000e+00> : vector<520x512xf32>
      %dot_general3A_386 = tpu.matmul %slice3A_382, %slice3A_383, %dot_general3A_385 {dimension_numbers = #tpu.dot_dimension_numbers<[1], [1], [0], [0], [0, 0, 1, 0], [], []>, transpose_lhs_hint = false} : vector<520x32xbf16>, vector<512x32xbf16>, vector<520x512xf32> -> vector<520x512xf32>
      %exp23A_387 = math.exp2 %dot_general3A_386 : vector<520x512xf32>
      %convert_element_type3A_388 = arith.truncf %exp23A_387 : vector<520x512xf32> to vector<520x512xbf16>
      %concatenate3A_389 = tpu.concatenate %slice3A_384, %broadcast_in_dim3A_53 in 1 : vector<512x32xbf16>, vector<512x8xbf16> -> vector<512x40xbf16>
      %dot_general3A_390 = arith.constant dense<0.000000e+00> : vector<520x40xf32>
      %dot_general3A_391 = tpu.matmul %convert_element_type3A_388, %concatenate3A_389, %dot_general3A_390 {dimension_numbers = #tpu.dot_dimension_numbers<[1], [0], [0], [1], [0, 0, 1, 1], [], []>, transpose_lhs_hint = false} : vector<520x512xbf16>, vector<512x40xbf16>, vector<520x40xf32> -> vector<520x40xf32>
      %slice3A_392 = vector.extract_strided_slice %dot_general3A_321 {offsets = [0, 0], sizes = [520, 32], strides = [1, 1]} : vector<520x40xf32> to vector<520x32xf32>
      %slice3A_393 = vector.extract_strided_slice %dot_general3A_331 {offsets = [0, 0], sizes = [520, 32], strides = [1, 1]} : vector<520x40xf32> to vector<520x32xf32>
      %slice3A_394 = vector.extract_strided_slice %dot_general3A_341 {offsets = [0, 0], sizes = [520, 32], strides = [1, 1]} : vector<520x40xf32> to vector<520x32xf32>
      %slice3A_395 = vector.extract_strided_slice %dot_general3A_351 {offsets = [0, 0], sizes = [520, 32], strides = [1, 1]} : vector<520x40xf32> to vector<520x32xf32>
      %slice3A_396 = vector.extract_strided_slice %dot_general3A_361 {offsets = [0, 0], sizes = [520, 32], strides = [1, 1]} : vector<520x40xf32> to vector<520x32xf32>
      %slice3A_397 = vector.extract_strided_slice %dot_general3A_371 {offsets = [0, 0], sizes = [520, 32], strides = [1, 1]} : vector<520x40xf32> to vector<520x32xf32>
      %slice3A_398 = vector.extract_strided_slice %dot_general3A_381 {offsets = [0, 0], sizes = [520, 32], strides = [1, 1]} : vector<520x40xf32> to vector<520x32xf32>
      %slice3A_399 = vector.extract_strided_slice %dot_general3A_391 {offsets = [0, 0], sizes = [520, 32], strides = [1, 1]} : vector<520x40xf32> to vector<520x32xf32>
      %concatenate3A_400 = tpu.concatenate %slice3A_392, %slice3A_393, %slice3A_394, %slice3A_395, %slice3A_396, %slice3A_397, %slice3A_398, %slice3A_399 in 1 : vector<520x32xf32>, vector<520x32xf32>, vector<520x32xf32>, vector<520x32xf32>, vector<520x32xf32>, vector<520x32xf32>, vector<520x32xf32>, vector<520x32xf32> -> vector<520x256xf32>
      %slice3A_401 = vector.extract_strided_slice %dot_general3A_321 {offsets = [0, 32], sizes = [520, 1], strides = [1, 1]} : vector<520x40xf32> to vector<520x1xf32>
      %slice3A_402 = vector.extract_strided_slice %dot_general3A_331 {offsets = [0, 32], sizes = [520, 1], strides = [1, 1]} : vector<520x40xf32> to vector<520x1xf32>
      %slice3A_403 = vector.extract_strided_slice %dot_general3A_341 {offsets = [0, 32], sizes = [520, 1], strides = [1, 1]} : vector<520x40xf32> to vector<520x1xf32>
      %slice3A_404 = vector.extract_strided_slice %dot_general3A_351 {offsets = [0, 32], sizes = [520, 1], strides = [1, 1]} : vector<520x40xf32> to vector<520x1xf32>
      %slice3A_405 = vector.extract_strided_slice %dot_general3A_361 {offsets = [0, 32], sizes = [520, 1], strides = [1, 1]} : vector<520x40xf32> to vector<520x1xf32>
      %slice3A_406 = vector.extract_strided_slice %dot_general3A_371 {offsets = [0, 32], sizes = [520, 1], strides = [1, 1]} : vector<520x40xf32> to vector<520x1xf32>
      %slice3A_407 = vector.extract_strided_slice %dot_general3A_381 {offsets = [0, 32], sizes = [520, 1], strides = [1, 1]} : vector<520x40xf32> to vector<520x1xf32>
      %slice3A_408 = vector.extract_strided_slice %dot_general3A_391 {offsets = [0, 32], sizes = [520, 1], strides = [1, 1]} : vector<520x40xf32> to vector<520x1xf32>
      %concatenate3A_409 = tpu.concatenate %slice3A_401, %slice3A_402, %slice3A_403, %slice3A_404, %slice3A_405, %slice3A_406, %slice3A_407, %slice3A_408 in 1 : vector<520x1xf32>, vector<520x1xf32>, vector<520x1xf32>, vector<520x1xf32>, vector<520x1xf32>, vector<520x1xf32>, vector<520x1xf32>, vector<520x1xf32> -> vector<520x8xf32>
      %add3A_410 = arith.addf %concatenate3A_409, %exp23A : vector<520x8xf32>
      %div3A_411 = arith.constant 1.000000e+00 : f32
      %div3A_412 = vector.broadcast %div3A_411 : f32 to vector<520x8xf32>
      %div3A_413 = arith.divf %div3A_412, %add3A_410 : vector<520x8xf32>
      %convert_element_type3A_414 = arith.truncf %div3A_413 : vector<520x8xf32> to vector<520x8xbf16>
      %dot_general3A_415 = arith.constant dense<0.000000e+00> : vector<520x256xf32>
      %dot_general3A_416 = tpu.matmul %convert_element_type3A_414, %convert_element_type3A_116, %dot_general3A_415 {dimension_numbers = #tpu.dot_dimension_numbers<[1], [0], [0], [1], [0, 0, 1, 1], [], []>, transpose_lhs_hint = false} : vector<520x8xbf16>, vector<8x256xbf16>, vector<520x256xf32> -> vector<520x256xf32>
      %convert_element_type3A_417 = arith.truncf %exp23A : vector<520x8xf32> to vector<520x8xbf16>
      %dot_general3A_418 = arith.constant dense<0.000000e+00> : vector<520x256xf32>
      %dot_general3A_419 = tpu.matmul %convert_element_type3A_417, %convert_element_type3A_116, %dot_general3A_418 {dimension_numbers = #tpu.dot_dimension_numbers<[1], [0], [0], [1], [0, 0, 1, 1], [], []>, transpose_lhs_hint = false} : vector<520x8xbf16>, vector<8x256xbf16>, vector<520x256xf32> -> vector<520x256xf32>
      %slice3A_420 = vector.extract_strided_slice %add3A_304 {offsets = [512, 512], sizes = [1, 256], strides = [1, 1]} : vector<520x768xf32> to vector<1x256xf32>
      %mul3A_421 = vector.broadcast %slice3A_420 : vector<1x256xf32> to vector<520x256xf32>
      %mul3A_422 = arith.mulf %dot_general3A_419, %mul3A_421 : vector<520x256xf32>
      %add3A_423 = arith.addf %concatenate3A_400, %mul3A_422 : vector<520x256xf32>
      %mul3A_424 = arith.mulf %add3A_423, %dot_general3A_416 : vector<520x256xf32>
      %convert_element_type3A_425 = arith.truncf %mul3A_424 : vector<520x256xf32> to vector<520x256xbf16>
      %dot_general3A_426 = arith.constant dense<0.000000e+00> : vector<520x256xf32>
      %dot_general3A_427 = tpu.matmul %convert_element_type3A_425, %get3A_228, %dot_general3A_426 {dimension_numbers = #tpu.dot_dimension_numbers<[1], [1], [0], [0], [0, 0, 1, 0], [], []>, transpose_lhs_hint = false} : vector<520x256xbf16>, vector<256x256xbf16>, vector<520x256xf32> -> vector<520x256xf32>
      %add3A_428 = arith.addf %scan3A_212, %dot_general3A_427 : vector<520x256xf32>
      %add3A_429 = vector.broadcast %get3A_233 : vector<1x256xf32> to vector<520x256xf32>
      %add3A_430 = arith.addf %add3A_428, %add3A_429 : vector<520x256xf32>
      %reduce_sum3A_431 = arith.constant dense<0.000000e+00> : vector<520xf32>
      %reduce_sum3A_432 = vector.multi_reduction <add>, %add3A_430, %reduce_sum3A_431 [1] : vector<520x256xf32> to vector<520xf32>
      %broadcast_in_dim3A_433 = vector.shape_cast %reduce_sum3A_432 : vector<520xf32> to vector<520x1xf32>
      %div3A_434 = arith.constant 2.560000e+02 : f32
      %div3A_435 = vector.broadcast %div3A_434 : f32 to vector<520x1xf32>
      %div3A_436 = arith.divf %broadcast_in_dim3A_433, %div3A_435 : vector<520x1xf32>
      %sub3A_437 = vector.broadcast %div3A_436 : vector<520x1xf32> to vector<520x256xf32>
      %sub3A_438 = arith.subf %add3A_430, %sub3A_437 : vector<520x256xf32>
      %integer_pow3A_439 = arith.mulf %sub3A_438, %sub3A_438 : vector<520x256xf32>
      %reduce_sum3A_440 = arith.constant dense<0.000000e+00> : vector<520xf32>
      %reduce_sum3A_441 = vector.multi_reduction <add>, %integer_pow3A_439, %reduce_sum3A_440 [1] : vector<520x256xf32> to vector<520xf32>
      %broadcast_in_dim3A_442 = vector.shape_cast %reduce_sum3A_441 : vector<520xf32> to vector<520x1xf32>
      %div3A_443 = arith.constant 2.560000e+02 : f32
      %div3A_444 = vector.broadcast %div3A_443 : f32 to vector<520x1xf32>
      %div3A_445 = arith.divf %broadcast_in_dim3A_442, %div3A_444 : vector<520x1xf32>
      %sub3A_446 = vector.broadcast %div3A_436 : vector<520x1xf32> to vector<520x256xf32>
      %sub3A_447 = arith.subf %add3A_430, %sub3A_446 : vector<520x256xf32>
      %add3A_448 = arith.constant 9.99999974E-6 : f32
      %add3A_449 = vector.broadcast %add3A_448 : f32 to vector<520x1xf32>
      %add3A_450 = arith.addf %div3A_445, %add3A_449 : vector<520x1xf32>
      %sqrt3A_451 = math.sqrt %add3A_450 : vector<520x1xf32>
      %div3A_452 = vector.broadcast %sqrt3A_451 : vector<520x1xf32> to vector<520x256xf32>
      %div3A_453 = arith.divf %sub3A_447, %div3A_452 : vector<520x256xf32>
      %mul3A_454 = vector.broadcast %get3A_268 : vector<1x256xf32> to vector<520x256xf32>
      %mul3A_455 = arith.mulf %div3A_453, %mul3A_454 : vector<520x256xf32>
      %add3A_456 = vector.broadcast %get3A_273 : vector<1x256xf32> to vector<520x256xf32>
      %add3A_457 = arith.addf %mul3A_455, %add3A_456 : vector<520x256xf32>
      %convert_element_type3A_458 = arith.truncf %add3A_457 : vector<520x256xf32> to vector<520x256xbf16>
      %dot_general3A_459 = arith.constant dense<0.000000e+00> : vector<520x1024xf32>
      %dot_general3A_460 = tpu.matmul %convert_element_type3A_458, %get3A_248, %dot_general3A_459 {dimension_numbers = #tpu.dot_dimension_numbers<[1], [1], [0], [0], [0, 0, 1, 0], [], []>, transpose_lhs_hint = false} : vector<520x256xbf16>, vector<1024x256xbf16>, vector<520x1024xf32> -> vector<520x1024xf32>
      %add3A_461 = vector.broadcast %get3A_253 : vector<1x1024xf32> to vector<520x1024xf32>
      %add3A_462 = arith.addf %dot_general3A_460, %add3A_461 : vector<520x1024xf32>
      %mul3A_463 = arith.constant 5.000000e-01 : f32
      %mul3A_464 = vector.broadcast %mul3A_463 : f32 to vector<520x1024xf32>
      %mul3A_465 = arith.mulf %mul3A_464, %add3A_462 : vector<520x1024xf32>
      %mul3A_466 = arith.constant 0.707106769 : f32
      %mul3A_467 = vector.broadcast %mul3A_466 : f32 to vector<520x1024xf32>
      %mul3A_468 = arith.mulf %add3A_462, %mul3A_467 : vector<520x1024xf32>
      %erf3A = math.erf %mul3A_468 : vector<520x1024xf32>
      %add3A_469 = arith.constant 1.000000e+00 : f32
      %add3A_470 = vector.broadcast %add3A_469 : f32 to vector<520x1024xf32>
      %add3A_471 = arith.addf %add3A_470, %erf3A : vector<520x1024xf32>
      %mul3A_472 = arith.mulf %mul3A_465, %add3A_471 : vector<520x1024xf32>
      %convert_element_type3A_473 = arith.truncf %mul3A_472 : vector<520x1024xf32> to vector<520x1024xbf16>
      %dot_general3A_474 = arith.constant dense<0.000000e+00> : vector<520x256xf32>
      %dot_general3A_475 = tpu.matmul %convert_element_type3A_473, %get3A_258, %dot_general3A_474 {dimension_numbers = #tpu.dot_dimension_numbers<[1], [1], [0], [0], [0, 0, 1, 0], [], []>, transpose_lhs_hint = false} : vector<520x1024xbf16>, vector<256x1024xbf16>, vector<520x256xf32> -> vector<520x256xf32>
      %add3A_476 = arith.addf %add3A_430, %dot_general3A_475 : vector<520x256xf32>
      %add3A_477 = vector.broadcast %get3A_263 : vector<1x256xf32> to vector<520x256xf32>
      %add3A_478 = arith.addf %add3A_476, %add3A_477 : vector<520x256xf32>
      %reduce_sum3A_479 = arith.constant dense<0.000000e+00> : vector<520xf32>
      %reduce_sum3A_480 = vector.multi_reduction <add>, %scan3A_213, %reduce_sum3A_479 [1] : vector<520x256xf32> to vector<520xf32>
      %broadcast_in_dim3A_481 = vector.shape_cast %reduce_sum3A_480 : vector<520xf32> to vector<520x1xf32>
      %div3A_482 = arith.constant 2.560000e+02 : f32
      %div3A_483 = vector.broadcast %div3A_482 : f32 to vector<520x1xf32>
      %div3A_484 = arith.divf %broadcast_in_dim3A_481, %div3A_483 : vector<520x1xf32>
      %sub3A_485 = vector.broadcast %div3A_484 : vector<520x1xf32> to vector<520x256xf32>
      %sub3A_486 = arith.subf %scan3A_213, %sub3A_485 : vector<520x256xf32>
      %integer_pow3A_487 = arith.mulf %sub3A_486, %sub3A_486 : vector<520x256xf32>
      %reduce_sum3A_488 = arith.constant dense<0.000000e+00> : vector<520xf32>
      %reduce_sum3A_489 = vector.multi_reduction <add>, %integer_pow3A_487, %reduce_sum3A_488 [1] : vector<520x256xf32> to vector<520xf32>
      %broadcast_in_dim3A_490 = vector.shape_cast %reduce_sum3A_489 : vector<520xf32> to vector<520x1xf32>
      %div3A_491 = arith.constant 2.560000e+02 : f32
      %div3A_492 = vector.broadcast %div3A_491 : f32 to vector<520x1xf32>
      %div3A_493 = arith.divf %broadcast_in_dim3A_490, %div3A_492 : vector<520x1xf32>
      %sub3A_494 = vector.broadcast %div3A_484 : vector<520x1xf32> to vector<520x256xf32>
      %sub3A_495 = arith.subf %scan3A_213, %sub3A_494 : vector<520x256xf32>
      %add3A_496 = arith.constant 9.99999974E-6 : f32
      %add3A_497 = vector.broadcast %add3A_496 : f32 to vector<520x1xf32>
      %add3A_498 = arith.addf %div3A_493, %add3A_497 : vector<520x1xf32>
      %sqrt3A_499 = math.sqrt %add3A_498 : vector<520x1xf32>
      %div3A_500 = vector.broadcast %sqrt3A_499 : vector<520x1xf32> to vector<520x256xf32>
      %div3A_501 = arith.divf %sub3A_495, %div3A_500 : vector<520x256xf32>
      %mul3A_502 = vector.broadcast %get3A_238 : vector<1x256xf32> to vector<520x256xf32>
      %mul3A_503 = arith.mulf %div3A_501, %mul3A_502 : vector<520x256xf32>
      %add3A_504 = vector.broadcast %get3A_243 : vector<1x256xf32> to vector<520x256xf32>
      %add3A_505 = arith.addf %mul3A_503, %add3A_504 : vector<520x256xf32>
      %convert_element_type3A_506 = arith.truncf %add3A_505 : vector<520x256xf32> to vector<520x256xbf16>
      %dot_general3A_507 = arith.constant dense<0.000000e+00> : vector<520x768xf32>
      %dot_general3A_508 = tpu.matmul %convert_element_type3A_506, %get3A_218, %dot_general3A_507 {dimension_numbers = #tpu.dot_dimension_numbers<[1], [1], [0], [0], [0, 0, 1, 0], [], []>, transpose_lhs_hint = false} : vector<520x256xbf16>, vector<768x256xbf16>, vector<520x768xf32> -> vector<520x768xf32>
      %add3A_509 = vector.broadcast %get3A_223 : vector<1x768xf32> to vector<520x768xf32>
      %add3A_510 = arith.addf %dot_general3A_508, %add3A_509 : vector<520x768xf32>
      %convert_element_type3A_511 = arith.truncf %add3A_510 : vector<520x768xf32> to vector<520x768xbf16>
      %slice3A_512 = vector.extract_strided_slice %add3A_510 {offsets = [512, 256], sizes = [1, 256], strides = [1, 1]} : vector<520x768xf32> to vector<1x256xf32>
      %slice3A_513 = vector.extract_strided_slice %add3A_510 {offsets = [0, 0], sizes = [520, 256], strides = [1, 1]} : vector<520x768xf32> to vector<520x256xf32>
      %mul3A_514 = vector.broadcast %slice3A_512 : vector<1x256xf32> to vector<520x256xf32>
      %mul3A_515 = arith.mulf %slice3A_513, %mul3A_514 : vector<520x256xf32>
      %convert_element_type3A_516 = arith.truncf %mul3A_515 : vector<520x256xf32> to vector<520x256xbf16>
      %dot_general3A_517 = arith.constant dense<0.000000e+00> : vector<520x8xf32>
      %dot_general3A_518 = tpu.matmul %convert_element_type3A_516, %convert_element_type3A_79, %dot_general3A_517 {dimension_numbers = #tpu.dot_dimension_numbers<[1], [0], [0], [1], [0, 0, 1, 1], [], []>, transpose_lhs_hint = false} : vector<520x256xbf16>, vector<256x8xbf16>, vector<520x8xf32> -> vector<520x8xf32>
      %exp23A_519 = math.exp2 %dot_general3A_518 : vector<520x8xf32>
      %slice3A_520 = vector.extract_strided_slice %convert_element_type3A_511 {offsets = [0, 0], sizes = [520, 32], strides = [1, 1]} : vector<520x768xbf16> to vector<520x32xbf16>
      %slice3A_521 = vector.extract_strided_slice %convert_element_type3A_511 {offsets = [0, 256], sizes = [512, 32], strides = [1, 1]} : vector<520x768xbf16> to vector<512x32xbf16>
      %slice3A_522 = vector.extract_strided_slice %convert_element_type3A_511 {offsets = [0, 512], sizes = [512, 32], strides = [1, 1]} : vector<520x768xbf16> to vector<512x32xbf16>
      %dot_general3A_523 = arith.constant dense<0.000000e+00> : vector<520x512xf32>
      %dot_general3A_524 = tpu.matmul %slice3A_520, %slice3A_521, %dot_general3A_523 {dimension_numbers = #tpu.dot_dimension_numbers<[1], [1], [0], [0], [0, 0, 1, 0], [], []>, transpose_lhs_hint = false} : vector<520x32xbf16>, vector<512x32xbf16>, vector<520x512xf32> -> vector<520x512xf32>
      %exp23A_525 = math.exp2 %dot_general3A_524 : vector<520x512xf32>
      %convert_element_type3A_526 = arith.truncf %exp23A_525 : vector<520x512xf32> to vector<520x512xbf16>
      %concatenate3A_527 = tpu.concatenate %slice3A_522, %broadcast_in_dim3A_53 in 1 : vector<512x32xbf16>, vector<512x8xbf16> -> vector<512x40xbf16>
      %dot_general3A_528 = arith.constant dense<0.000000e+00> : vector<520x40xf32>
      %dot_general3A_529 = tpu.matmul %convert_element_type3A_526, %concatenate3A_527, %dot_general3A_528 {dimension_numbers = #tpu.dot_dimension_numbers<[1], [0], [0], [1], [0, 0, 1, 1], [], []>, transpose_lhs_hint = false} : vector<520x512xbf16>, vector<512x40xbf16>, vector<520x40xf32> -> vector<520x40xf32>
      %slice3A_530 = vector.extract_strided_slice %convert_element_type3A_511 {offsets = [0, 32], sizes = [520, 32], strides = [1, 1]} : vector<520x768xbf16> to vector<520x32xbf16>
      %slice3A_531 = vector.extract_strided_slice %convert_element_type3A_511 {offsets = [0, 288], sizes = [512, 32], strides = [1, 1]} : vector<520x768xbf16> to vector<512x32xbf16>
      %slice3A_532 = vector.extract_strided_slice %convert_element_type3A_511 {offsets = [0, 544], sizes = [512, 32], strides = [1, 1]} : vector<520x768xbf16> to vector<512x32xbf16>
      %dot_general3A_533 = arith.constant dense<0.000000e+00> : vector<520x512xf32>
      %dot_general3A_534 = tpu.matmul %slice3A_530, %slice3A_531, %dot_general3A_533 {dimension_numbers = #tpu.dot_dimension_numbers<[1], [1], [0], [0], [0, 0, 1, 0], [], []>, transpose_lhs_hint = false} : vector<520x32xbf16>, vector<512x32xbf16>, vector<520x512xf32> -> vector<520x512xf32>
      %exp23A_535 = math.exp2 %dot_general3A_534 : vector<520x512xf32>
      %convert_element_type3A_536 = arith.truncf %exp23A_535 : vector<520x512xf32> to vector<520x512xbf16>
      %concatenate3A_537 = tpu.concatenate %slice3A_532, %broadcast_in_dim3A_53 in 1 : vector<512x32xbf16>, vector<512x8xbf16> -> vector<512x40xbf16>
      %dot_general3A_538 = arith.constant dense<0.000000e+00> : vector<520x40xf32>
      %dot_general3A_539 = tpu.matmul %convert_element_type3A_536, %concatenate3A_537, %dot_general3A_538 {dimension_numbers = #tpu.dot_dimension_numbers<[1], [0], [0], [1], [0, 0, 1, 1], [], []>, transpose_lhs_hint = false} : vector<520x512xbf16>, vector<512x40xbf16>, vector<520x40xf32> -> vector<520x40xf32>
      %slice3A_540 = vector.extract_strided_slice %convert_element_type3A_511 {offsets = [0, 64], sizes = [520, 32], strides = [1, 1]} : vector<520x768xbf16> to vector<520x32xbf16>
      %slice3A_541 = vector.extract_strided_slice %convert_element_type3A_511 {offsets = [0, 320], sizes = [512, 32], strides = [1, 1]} : vector<520x768xbf16> to vector<512x32xbf16>
      %slice3A_542 = vector.extract_strided_slice %convert_element_type3A_511 {offsets = [0, 576], sizes = [512, 32], strides = [1, 1]} : vector<520x768xbf16> to vector<512x32xbf16>
      %dot_general3A_543 = arith.constant dense<0.000000e+00> : vector<520x512xf32>
      %dot_general3A_544 = tpu.matmul %slice3A_540, %slice3A_541, %dot_general3A_543 {dimension_numbers = #tpu.dot_dimension_numbers<[1], [1], [0], [0], [0, 0, 1, 0], [], []>, transpose_lhs_hint = false} : vector<520x32xbf16>, vector<512x32xbf16>, vector<520x512xf32> -> vector<520x512xf32>
      %exp23A_545 = math.exp2 %dot_general3A_544 : vector<520x512xf32>
      %convert_element_type3A_546 = arith.truncf %exp23A_545 : vector<520x512xf32> to vector<520x512xbf16>
      %concatenate3A_547 = tpu.concatenate %slice3A_542, %broadcast_in_dim3A_53 in 1 : vector<512x32xbf16>, vector<512x8xbf16> -> vector<512x40xbf16>
      %dot_general3A_548 = arith.constant dense<0.000000e+00> : vector<520x40xf32>
      %dot_general3A_549 = tpu.matmul %convert_element_type3A_546, %concatenate3A_547, %dot_general3A_548 {dimension_numbers = #tpu.dot_dimension_numbers<[1], [0], [0], [1], [0, 0, 1, 1], [], []>, transpose_lhs_hint = false} : vector<520x512xbf16>, vector<512x40xbf16>, vector<520x40xf32> -> vector<520x40xf32>
      %slice3A_550 = vector.extract_strided_slice %convert_element_type3A_511 {offsets = [0, 96], sizes = [520, 32], strides = [1, 1]} : vector<520x768xbf16> to vector<520x32xbf16>
      %slice3A_551 = vector.extract_strided_slice %convert_element_type3A_511 {offsets = [0, 352], sizes = [512, 32], strides = [1, 1]} : vector<520x768xbf16> to vector<512x32xbf16>
      %slice3A_552 = vector.extract_strided_slice %convert_element_type3A_511 {offsets = [0, 608], sizes = [512, 32], strides = [1, 1]} : vector<520x768xbf16> to vector<512x32xbf16>
      %dot_general3A_553 = arith.constant dense<0.000000e+00> : vector<520x512xf32>
      %dot_general3A_554 = tpu.matmul %slice3A_550, %slice3A_551, %dot_general3A_553 {dimension_numbers = #tpu.dot_dimension_numbers<[1], [1], [0], [0], [0, 0, 1, 0], [], []>, transpose_lhs_hint = false} : vector<520x32xbf16>, vector<512x32xbf16>, vector<520x512xf32> -> vector<520x512xf32>
      %exp23A_555 = math.exp2 %dot_general3A_554 : vector<520x512xf32>
      %convert_element_type3A_556 = arith.truncf %exp23A_555 : vector<520x512xf32> to vector<520x512xbf16>
      %concatenate3A_557 = tpu.concatenate %slice3A_552, %broadcast_in_dim3A_53 in 1 : vector<512x32xbf16>, vector<512x8xbf16> -> vector<512x40xbf16>
      %dot_general3A_558 = arith.constant dense<0.000000e+00> : vector<520x40xf32>
      %dot_general3A_559 = tpu.matmul %convert_element_type3A_556, %concatenate3A_557, %dot_general3A_558 {dimension_numbers = #tpu.dot_dimension_numbers<[1], [0], [0], [1], [0, 0, 1, 1], [], []>, transpose_lhs_hint = false} : vector<520x512xbf16>, vector<512x40xbf16>, vector<520x40xf32> -> vector<520x40xf32>
      %slice3A_560 = vector.extract_strided_slice %convert_element_type3A_511 {offsets = [0, 128], sizes = [520, 32], strides = [1, 1]} : vector<520x768xbf16> to vector<520x32xbf16>
      %slice3A_561 = vector.extract_strided_slice %convert_element_type3A_511 {offsets = [0, 384], sizes = [512, 32], strides = [1, 1]} : vector<520x768xbf16> to vector<512x32xbf16>
      %slice3A_562 = vector.extract_strided_slice %convert_element_type3A_511 {offsets = [0, 640], sizes = [512, 32], strides = [1, 1]} : vector<520x768xbf16> to vector<512x32xbf16>
      %dot_general3A_563 = arith.constant dense<0.000000e+00> : vector<520x512xf32>
      %dot_general3A_564 = tpu.matmul %slice3A_560, %slice3A_561, %dot_general3A_563 {dimension_numbers = #tpu.dot_dimension_numbers<[1], [1], [0], [0], [0, 0, 1, 0], [], []>, transpose_lhs_hint = false} : vector<520x32xbf16>, vector<512x32xbf16>, vector<520x512xf32> -> vector<520x512xf32>
      %exp23A_565 = math.exp2 %dot_general3A_564 : vector<520x512xf32>
      %convert_element_type3A_566 = arith.truncf %exp23A_565 : vector<520x512xf32> to vector<520x512xbf16>
      %concatenate3A_567 = tpu.concatenate %slice3A_562, %broadcast_in_dim3A_53 in 1 : vector<512x32xbf16>, vector<512x8xbf16> -> vector<512x40xbf16>
      %dot_general3A_568 = arith.constant dense<0.000000e+00> : vector<520x40xf32>
      %dot_general3A_569 = tpu.matmul %convert_element_type3A_566, %concatenate3A_567, %dot_general3A_568 {dimension_numbers = #tpu.dot_dimension_numbers<[1], [0], [0], [1], [0, 0, 1, 1], [], []>, transpose_lhs_hint = false} : vector<520x512xbf16>, vector<512x40xbf16>, vector<520x40xf32> -> vector<520x40xf32>
      %slice3A_570 = vector.extract_strided_slice %convert_element_type3A_511 {offsets = [0, 160], sizes = [520, 32], strides = [1, 1]} : vector<520x768xbf16> to vector<520x32xbf16>
      %slice3A_571 = vector.extract_strided_slice %convert_element_type3A_511 {offsets = [0, 416], sizes = [512, 32], strides = [1, 1]} : vector<520x768xbf16> to vector<512x32xbf16>
      %slice3A_572 = vector.extract_strided_slice %convert_element_type3A_511 {offsets = [0, 672], sizes = [512, 32], strides = [1, 1]} : vector<520x768xbf16> to vector<512x32xbf16>
      %dot_general3A_573 = arith.constant dense<0.000000e+00> : vector<520x512xf32>
      %dot_general3A_574 = tpu.matmul %slice3A_570, %slice3A_571, %dot_general3A_573 {dimension_numbers = #tpu.dot_dimension_numbers<[1], [1], [0], [0], [0, 0, 1, 0], [], []>, transpose_lhs_hint = false} : vector<520x32xbf16>, vector<512x32xbf16>, vector<520x512xf32> -> vector<520x512xf32>
      %exp23A_575 = math.exp2 %dot_general3A_574 : vector<520x512xf32>
      %convert_element_type3A_576 = arith.truncf %exp23A_575 : vector<520x512xf32> to vector<520x512xbf16>
      %concatenate3A_577 = tpu.concatenate %slice3A_572, %broadcast_in_dim3A_53 in 1 : vector<512x32xbf16>, vector<512x8xbf16> -> vector<512x40xbf16>
      %dot_general3A_578 = arith.constant dense<0.000000e+00> : vector<520x40xf32>
      %dot_general3A_579 = tpu.matmul %convert_element_type3A_576, %concatenate3A_577, %dot_general3A_578 {dimension_numbers = #tpu.dot_dimension_numbers<[1], [0], [0], [1], [0, 0, 1, 1], [], []>, transpose_lhs_hint = false} : vector<520x512xbf16>, vector<512x40xbf16>, vector<520x40xf32> -> vector<520x40xf32>
      %slice3A_580 = vector.extract_strided_slice %convert_element_type3A_511 {offsets = [0, 192], sizes = [520, 32], strides = [1, 1]} : vector<520x768xbf16> to vector<520x32xbf16>
      %slice3A_581 = vector.extract_strided_slice %convert_element_type3A_511 {offsets = [0, 448], sizes = [512, 32], strides = [1, 1]} : vector<520x768xbf16> to vector<512x32xbf16>
      %slice3A_582 = vector.extract_strided_slice %convert_element_type3A_511 {offsets = [0, 704], sizes = [512, 32], strides = [1, 1]} : vector<520x768xbf16> to vector<512x32xbf16>
      %dot_general3A_583 = arith.constant dense<0.000000e+00> : vector<520x512xf32>
      %dot_general3A_584 = tpu.matmul %slice3A_580, %slice3A_581, %dot_general3A_583 {dimension_numbers = #tpu.dot_dimension_numbers<[1], [1], [0], [0], [0, 0, 1, 0], [], []>, transpose_lhs_hint = false} : vector<520x32xbf16>, vector<512x32xbf16>, vector<520x512xf32> -> vector<520x512xf32>
      %exp23A_585 = math.exp2 %dot_general3A_584 : vector<520x512xf32>
      %convert_element_type3A_586 = arith.truncf %exp23A_585 : vector<520x512xf32> to vector<520x512xbf16>
      %concatenate3A_587 = tpu.concatenate %slice3A_582, %broadcast_in_dim3A_53 in 1 : vector<512x32xbf16>, vector<512x8xbf16> -> vector<512x40xbf16>
      %dot_general3A_588 = arith.constant dense<0.000000e+00> : vector<520x40xf32>
      %dot_general3A_589 = tpu.matmul %convert_element_type3A_586, %concatenate3A_587, %dot_general3A_588 {dimension_numbers = #tpu.dot_dimension_numbers<[1], [0], [0], [1], [0, 0, 1, 1], [], []>, transpose_lhs_hint = false} : vector<520x512xbf16>, vector<512x40xbf16>, vector<520x40xf32> -> vector<520x40xf32>
      %slice3A_590 = vector.extract_strided_slice %convert_element_type3A_511 {offsets = [0, 224], sizes = [520, 32], strides = [1, 1]} : vector<520x768xbf16> to vector<520x32xbf16>
      %slice3A_591 = vector.extract_strided_slice %convert_element_type3A_511 {offsets = [0, 480], sizes = [512, 32], strides = [1, 1]} : vector<520x768xbf16> to vector<512x32xbf16>
      %slice3A_592 = vector.extract_strided_slice %convert_element_type3A_511 {offsets = [0, 736], sizes = [512, 32], strides = [1, 1]} : vector<520x768xbf16> to vector<512x32xbf16>
      %dot_general3A_593 = arith.constant dense<0.000000e+00> : vector<520x512xf32>
      %dot_general3A_594 = tpu.matmul %slice3A_590, %slice3A_591, %dot_general3A_593 {dimension_numbers = #tpu.dot_dimension_numbers<[1], [1], [0], [0], [0, 0, 1, 0], [], []>, transpose_lhs_hint = false} : vector<520x32xbf16>, vector<512x32xbf16>, vector<520x512xf32> -> vector<520x512xf32>
      %exp23A_595 = math.exp2 %dot_general3A_594 : vector<520x512xf32>
      %convert_element_type3A_596 = arith.truncf %exp23A_595 : vector<520x512xf32> to vector<520x512xbf16>
      %concatenate3A_597 = tpu.concatenate %slice3A_592, %broadcast_in_dim3A_53 in 1 : vector<512x32xbf16>, vector<512x8xbf16> -> vector<512x40xbf16>
      %dot_general3A_598 = arith.constant dense<0.000000e+00> : vector<520x40xf32>
      %dot_general3A_599 = tpu.matmul %convert_element_type3A_596, %concatenate3A_597, %dot_general3A_598 {dimension_numbers = #tpu.dot_dimension_numbers<[1], [0], [0], [1], [0, 0, 1, 1], [], []>, transpose_lhs_hint = false} : vector<520x512xbf16>, vector<512x40xbf16>, vector<520x40xf32> -> vector<520x40xf32>
      %slice3A_600 = vector.extract_strided_slice %dot_general3A_529 {offsets = [0, 0], sizes = [520, 32], strides = [1, 1]} : vector<520x40xf32> to vector<520x32xf32>
      %slice3A_601 = vector.extract_strided_slice %dot_general3A_539 {offsets = [0, 0], sizes = [520, 32], strides = [1, 1]} : vector<520x40xf32> to vector<520x32xf32>
      %slice3A_602 = vector.extract_strided_slice %dot_general3A_549 {offsets = [0, 0], sizes = [520, 32], strides = [1, 1]} : vector<520x40xf32> to vector<520x32xf32>
      %slice3A_603 = vector.extract_strided_slice %dot_general3A_559 {offsets = [0, 0], sizes = [520, 32], strides = [1, 1]} : vector<520x40xf32> to vector<520x32xf32>
      %slice3A_604 = vector.extract_strided_slice %dot_general3A_569 {offsets = [0, 0], sizes = [520, 32], strides = [1, 1]} : vector<520x40xf32> to vector<520x32xf32>
      %slice3A_605 = vector.extract_strided_slice %dot_general3A_579 {offsets = [0, 0], sizes = [520, 32], strides = [1, 1]} : vector<520x40xf32> to vector<520x32xf32>
      %slice3A_606 = vector.extract_strided_slice %dot_general3A_589 {offsets = [0, 0], sizes = [520, 32], strides = [1, 1]} : vector<520x40xf32> to vector<520x32xf32>
      %slice3A_607 = vector.extract_strided_slice %dot_general3A_599 {offsets = [0, 0], sizes = [520, 32], strides = [1, 1]} : vector<520x40xf32> to vector<520x32xf32>
      %concatenate3A_608 = tpu.concatenate %slice3A_600, %slice3A_601, %slice3A_602, %slice3A_603, %slice3A_604, %slice3A_605, %slice3A_606, %slice3A_607 in 1 : vector<520x32xf32>, vector<520x32xf32>, vector<520x32xf32>, vector<520x32xf32>, vector<520x32xf32>, vector<520x32xf32>, vector<520x32xf32>, vector<520x32xf32> -> vector<520x256xf32>
      %slice3A_609 = vector.extract_strided_slice %dot_general3A_529 {offsets = [0, 32], sizes = [520, 1], strides = [1, 1]} : vector<520x40xf32> to vector<520x1xf32>
      %slice3A_610 = vector.extract_strided_slice %dot_general3A_539 {offsets = [0, 32], sizes = [520, 1], strides = [1, 1]} : vector<520x40xf32> to vector<520x1xf32>
      %slice3A_611 = vector.extract_strided_slice %dot_general3A_549 {offsets = [0, 32], sizes = [520, 1], strides = [1, 1]} : vector<520x40xf32> to vector<520x1xf32>
      %slice3A_612 = vector.extract_strided_slice %dot_general3A_559 {offsets = [0, 32], sizes = [520, 1], strides = [1, 1]} : vector<520x40xf32> to vector<520x1xf32>
      %slice3A_613 = vector.extract_strided_slice %dot_general3A_569 {offsets = [0, 32], sizes = [520, 1], strides = [1, 1]} : vector<520x40xf32> to vector<520x1xf32>
      %slice3A_614 = vector.extract_strided_slice %dot_general3A_579 {offsets = [0, 32], sizes = [520, 1], strides = [1, 1]} : vector<520x40xf32> to vector<520x1xf32>
      %slice3A_615 = vector.extract_strided_slice %dot_general3A_589 {offsets = [0, 32], sizes = [520, 1], strides = [1, 1]} : vector<520x40xf32> to vector<520x1xf32>
      %slice3A_616 = vector.extract_strided_slice %dot_general3A_599 {offsets = [0, 32], sizes = [520, 1], strides = [1, 1]} : vector<520x40xf32> to vector<520x1xf32>
      %concatenate3A_617 = tpu.concatenate %slice3A_609, %slice3A_610, %slice3A_611, %slice3A_612, %slice3A_613, %slice3A_614, %slice3A_615, %slice3A_616 in 1 : vector<520x1xf32>, vector<520x1xf32>, vector<520x1xf32>, vector<520x1xf32>, vector<520x1xf32>, vector<520x1xf32>, vector<520x1xf32>, vector<520x1xf32> -> vector<520x8xf32>
      %add3A_618 = arith.addf %concatenate3A_617, %exp23A_519 : vector<520x8xf32>
      %div3A_619 = arith.constant 1.000000e+00 : f32
      %div3A_620 = vector.broadcast %div3A_619 : f32 to vector<520x8xf32>
      %div3A_621 = arith.divf %div3A_620, %add3A_618 : vector<520x8xf32>
      %convert_element_type3A_622 = arith.truncf %div3A_621 : vector<520x8xf32> to vector<520x8xbf16>
      %dot_general3A_623 = arith.constant dense<0.000000e+00> : vector<520x256xf32>
      %dot_general3A_624 = tpu.matmul %convert_element_type3A_622, %convert_element_type3A_116, %dot_general3A_623 {dimension_numbers = #tpu.dot_dimension_numbers<[1], [0], [0], [1], [0, 0, 1, 1], [], []>, transpose_lhs_hint = false} : vector<520x8xbf16>, vector<8x256xbf16>, vector<520x256xf32> -> vector<520x256xf32>
      %convert_element_type3A_625 = arith.truncf %exp23A_519 : vector<520x8xf32> to vector<520x8xbf16>
      %dot_general3A_626 = arith.constant dense<0.000000e+00> : vector<520x256xf32>
      %dot_general3A_627 = tpu.matmul %convert_element_type3A_625, %convert_element_type3A_116, %dot_general3A_626 {dimension_numbers = #tpu.dot_dimension_numbers<[1], [0], [0], [1], [0, 0, 1, 1], [], []>, transpose_lhs_hint = false} : vector<520x8xbf16>, vector<8x256xbf16>, vector<520x256xf32> -> vector<520x256xf32>
      %slice3A_628 = vector.extract_strided_slice %add3A_510 {offsets = [512, 512], sizes = [1, 256], strides = [1, 1]} : vector<520x768xf32> to vector<1x256xf32>
      %mul3A_629 = vector.broadcast %slice3A_628 : vector<1x256xf32> to vector<520x256xf32>
      %mul3A_630 = arith.mulf %dot_general3A_627, %mul3A_629 : vector<520x256xf32>
      %add3A_631 = arith.addf %concatenate3A_608, %mul3A_630 : vector<520x256xf32>
      %mul3A_632 = arith.mulf %add3A_631, %dot_general3A_624 : vector<520x256xf32>
      %convert_element_type3A_633 = arith.truncf %mul3A_632 : vector<520x256xf32> to vector<520x256xbf16>
      %dot_general3A_634 = arith.constant dense<0.000000e+00> : vector<520x256xf32>
      %dot_general3A_635 = tpu.matmul %convert_element_type3A_633, %get3A_228, %dot_general3A_634 {dimension_numbers = #tpu.dot_dimension_numbers<[1], [1], [0], [0], [0, 0, 1, 0], [], []>, transpose_lhs_hint = false} : vector<520x256xbf16>, vector<256x256xbf16>, vector<520x256xf32> -> vector<520x256xf32>
      %add3A_636 = arith.addf %scan3A_213, %dot_general3A_635 : vector<520x256xf32>
      %add3A_637 = vector.broadcast %get3A_233 : vector<1x256xf32> to vector<520x256xf32>
      %add3A_638 = arith.addf %add3A_636, %add3A_637 : vector<520x256xf32>
      %reduce_sum3A_639 = arith.constant dense<0.000000e+00> : vector<520xf32>
      %reduce_sum3A_640 = vector.multi_reduction <add>, %add3A_638, %reduce_sum3A_639 [1] : vector<520x256xf32> to vector<520xf32>
      %broadcast_in_dim3A_641 = vector.shape_cast %reduce_sum3A_640 : vector<520xf32> to vector<520x1xf32>
      %div3A_642 = arith.constant 2.560000e+02 : f32
      %div3A_643 = vector.broadcast %div3A_642 : f32 to vector<520x1xf32>
      %div3A_644 = arith.divf %broadcast_in_dim3A_641, %div3A_643 : vector<520x1xf32>
      %sub3A_645 = vector.broadcast %div3A_644 : vector<520x1xf32> to vector<520x256xf32>
      %sub3A_646 = arith.subf %add3A_638, %sub3A_645 : vector<520x256xf32>
      %integer_pow3A_647 = arith.mulf %sub3A_646, %sub3A_646 : vector<520x256xf32>
      %reduce_sum3A_648 = arith.constant dense<0.000000e+00> : vector<520xf32>
      %reduce_sum3A_649 = vector.multi_reduction <add>, %integer_pow3A_647, %reduce_sum3A_648 [1] : vector<520x256xf32> to vector<520xf32>
      %broadcast_in_dim3A_650 = vector.shape_cast %reduce_sum3A_649 : vector<520xf32> to vector<520x1xf32>
      %div3A_651 = arith.constant 2.560000e+02 : f32
      %div3A_652 = vector.broadcast %div3A_651 : f32 to vector<520x1xf32>
      %div3A_653 = arith.divf %broadcast_in_dim3A_650, %div3A_652 : vector<520x1xf32>
      %sub3A_654 = vector.broadcast %div3A_644 : vector<520x1xf32> to vector<520x256xf32>
      %sub3A_655 = arith.subf %add3A_638, %sub3A_654 : vector<520x256xf32>
      %add3A_656 = arith.constant 9.99999974E-6 : f32
      %add3A_657 = vector.broadcast %add3A_656 : f32 to vector<520x1xf32>
      %add3A_658 = arith.addf %div3A_653, %add3A_657 : vector<520x1xf32>
      %sqrt3A_659 = math.sqrt %add3A_658 : vector<520x1xf32>
      %div3A_660 = vector.broadcast %sqrt3A_659 : vector<520x1xf32> to vector<520x256xf32>
      %div3A_661 = arith.divf %sub3A_655, %div3A_660 : vector<520x256xf32>
      %mul3A_662 = vector.broadcast %get3A_268 : vector<1x256xf32> to vector<520x256xf32>
      %mul3A_663 = arith.mulf %div3A_661, %mul3A_662 : vector<520x256xf32>
      %add3A_664 = vector.broadcast %get3A_273 : vector<1x256xf32> to vector<520x256xf32>
      %add3A_665 = arith.addf %mul3A_663, %add3A_664 : vector<520x256xf32>
      %convert_element_type3A_666 = arith.truncf %add3A_665 : vector<520x256xf32> to vector<520x256xbf16>
      %dot_general3A_667 = arith.constant dense<0.000000e+00> : vector<520x1024xf32>
      %dot_general3A_668 = tpu.matmul %convert_element_type3A_666, %get3A_248, %dot_general3A_667 {dimension_numbers = #tpu.dot_dimension_numbers<[1], [1], [0], [0], [0, 0, 1, 0], [], []>, transpose_lhs_hint = false} : vector<520x256xbf16>, vector<1024x256xbf16>, vector<520x1024xf32> -> vector<520x1024xf32>
      %add3A_669 = vector.broadcast %get3A_253 : vector<1x1024xf32> to vector<520x1024xf32>
      %add3A_670 = arith.addf %dot_general3A_668, %add3A_669 : vector<520x1024xf32>
      %mul3A_671 = arith.constant 5.000000e-01 : f32
      %mul3A_672 = vector.broadcast %mul3A_671 : f32 to vector<520x1024xf32>
      %mul3A_673 = arith.mulf %mul3A_672, %add3A_670 : vector<520x1024xf32>
      %mul3A_674 = arith.constant 0.707106769 : f32
      %mul3A_675 = vector.broadcast %mul3A_674 : f32 to vector<520x1024xf32>
      %mul3A_676 = arith.mulf %add3A_670, %mul3A_675 : vector<520x1024xf32>
      %erf3A_677 = math.erf %mul3A_676 : vector<520x1024xf32>
      %add3A_678 = arith.constant 1.000000e+00 : f32
      %add3A_679 = vector.broadcast %add3A_678 : f32 to vector<520x1024xf32>
      %add3A_680 = arith.addf %add3A_679, %erf3A_677 : vector<520x1024xf32>
      %mul3A_681 = arith.mulf %mul3A_673, %add3A_680 : vector<520x1024xf32>
      %convert_element_type3A_682 = arith.truncf %mul3A_681 : vector<520x1024xf32> to vector<520x1024xbf16>
      %dot_general3A_683 = arith.constant dense<0.000000e+00> : vector<520x256xf32>
      %dot_general3A_684 = tpu.matmul %convert_element_type3A_682, %get3A_258, %dot_general3A_683 {dimension_numbers = #tpu.dot_dimension_numbers<[1], [1], [0], [0], [0, 0, 1, 0], [], []>, transpose_lhs_hint = false} : vector<520x1024xbf16>, vector<256x1024xbf16>, vector<520x256xf32> -> vector<520x256xf32>
      %add3A_685 = arith.addf %add3A_638, %dot_general3A_684 : vector<520x256xf32>
      %add3A_686 = vector.broadcast %get3A_263 : vector<1x256xf32> to vector<520x256xf32>
      %add3A_687 = arith.addf %add3A_685, %add3A_686 : vector<520x256xf32>
      scf.yield %add3A_478, %add3A_687 : vector<520x256xf32>, vector<520x256xf32>
    }
    %scan3A_121 = arith.constant 6 : i32
    %get3A_122 = arith.constant 0 : index
    %get3A_123 = arith.constant 0 : index
    %get3A_124 = vector.load %arg16[%get3A_122, %get3A_123] : memref<1x256xf32, #tpu.memory_space<vmem>>, vector<1x256xf32>
    %get3A_125 = arith.constant 0 : index
    %get3A_126 = arith.constant 0 : index
    %get3A_127 = vector.load %arg17[%get3A_125, %get3A_126] : memref<1x256xf32, #tpu.memory_space<vmem>>, vector<1x256xf32>
    %reduce_sum3A = arith.constant dense<0.000000e+00> : vector<520xf32>
    %reduce_sum3A_128 = vector.multi_reduction <add>, %scan3A_120#0, %reduce_sum3A [1] : vector<520x256xf32> to vector<520xf32>
    %broadcast_in_dim3A_129 = vector.shape_cast %reduce_sum3A_128 : vector<520xf32> to vector<520x1xf32>
    %div3A_130 = arith.constant 2.560000e+02 : f32
    %div3A_131 = vector.broadcast %div3A_130 : f32 to vector<520x1xf32>
    %div3A_132 = arith.divf %broadcast_in_dim3A_129, %div3A_131 : vector<520x1xf32>
    %sub3A_133 = vector.broadcast %div3A_132 : vector<520x1xf32> to vector<520x256xf32>
    %sub3A_134 = arith.subf %scan3A_120#0, %sub3A_133 : vector<520x256xf32>
    %integer_pow3A = arith.mulf %sub3A_134, %sub3A_134 : vector<520x256xf32>
    %reduce_sum3A_135 = arith.constant dense<0.000000e+00> : vector<520xf32>
    %reduce_sum3A_136 = vector.multi_reduction <add>, %integer_pow3A, %reduce_sum3A_135 [1] : vector<520x256xf32> to vector<520xf32>
    %broadcast_in_dim3A_137 = vector.shape_cast %reduce_sum3A_136 : vector<520xf32> to vector<520x1xf32>
    %div3A_138 = arith.constant 2.560000e+02 : f32
    %div3A_139 = vector.broadcast %div3A_138 : f32 to vector<520x1xf32>
    %div3A_140 = arith.divf %broadcast_in_dim3A_137, %div3A_139 : vector<520x1xf32>
    %sub3A_141 = vector.broadcast %div3A_132 : vector<520x1xf32> to vector<520x256xf32>
    %sub3A_142 = arith.subf %scan3A_120#0, %sub3A_141 : vector<520x256xf32>
    %add3A_143 = arith.constant 9.99999974E-6 : f32
    %add3A_144 = vector.broadcast %add3A_143 : f32 to vector<520x1xf32>
    %add3A_145 = arith.addf %div3A_140, %add3A_144 : vector<520x1xf32>
    %sqrt3A = math.sqrt %add3A_145 : vector<520x1xf32>
    %div3A_146 = vector.broadcast %sqrt3A : vector<520x1xf32> to vector<520x256xf32>
    %div3A_147 = arith.divf %sub3A_142, %div3A_146 : vector<520x256xf32>
    %mul3A = vector.broadcast %get3A_124 : vector<1x256xf32> to vector<520x256xf32>
    %mul3A_148 = arith.mulf %div3A_147, %mul3A : vector<520x256xf32>
    %add3A_149 = vector.broadcast %get3A_127 : vector<1x256xf32> to vector<520x256xf32>
    %add3A_150 = arith.addf %mul3A_148, %add3A_149 : vector<520x256xf32>
    %slice3A = vector.extract_strided_slice %add3A_150 {offsets = [512, 0], sizes = [1, 256], strides = [1, 1]} : vector<520x256xf32> to vector<1x256xf32>
    %swap3A_151 = arith.constant 0 : index
    %swap3A_152 = arith.constant 0 : index
    %swap3A_153 = arith.constant 0 : index
    %swap3A_154 = vector.load %arg18[%swap3A_151, %swap3A_152, %swap3A_153] : memref<2x513x256xf32, #tpu.memory_space<vmem>>, vector<1x1x256xf32>
    %swap3A_155 = vector.shape_cast %swap3A_154 : vector<1x1x256xf32> to vector<1x256xf32>
    %swap3A_156 = vector.shape_cast %slice3A : vector<1x256xf32> to vector<1x1x256xf32>
    tpu.vector_store %arg18[%swap3A_151, %swap3A_152, %swap3A_153], %swap3A_156 {strides = array<i32>} : memref<2x513x256xf32, #tpu.memory_space<vmem>>, vector<1x1x256xf32>,
    %slice3A_157 = vector.extract_strided_slice %add3A_150 {offsets = [0, 0], sizes = [512, 256], strides = [1, 1]} : vector<520x256xf32> to vector<512x256xf32>
    %swap3A_158 = arith.constant 0 : index
    %swap3A_159 = arith.constant 1 : index
    %swap3A_160 = arith.constant 0 : index
    %swap3A_161 = vector.load %arg18[%swap3A_158, %swap3A_159, %swap3A_160] : memref<2x513x256xf32, #tpu.memory_space<vmem>>, vector<1x512x256xf32>
    %swap3A_162 = vector.shape_cast %swap3A_161 : vector<1x512x256xf32> to vector<512x256xf32>
    %swap3A_163 = vector.shape_cast %slice3A_157 : vector<512x256xf32> to vector<1x512x256xf32>
    tpu.vector_store %arg18[%swap3A_158, %swap3A_159, %swap3A_160], %swap3A_163 {strides = array<i32>} : memref<2x513x256xf32, #tpu.memory_space<vmem>>, vector<1x512x256xf32>,
    %get3A_164 = arith.constant 0 : index
    %get3A_165 = arith.constant 0 : index
    %get3A_166 = vector.load %arg16[%get3A_164, %get3A_165] : memref<1x256xf32, #tpu.memory_space<vmem>>, vector<1x256xf32>
    %get3A_167 = arith.constant 0 : index
    %get3A_168 = arith.constant 0 : index
    %get3A_169 = vector.load %arg17[%get3A_167, %get3A_168] : memref<1x256xf32, #tpu.memory_space<vmem>>, vector<1x256xf32>
    %reduce_sum3A_170 = arith.constant dense<0.000000e+00> : vector<520xf32>
    %reduce_sum3A_171 = vector.multi_reduction <add>, %scan3A_120#1, %reduce_sum3A_170 [1] : vector<520x256xf32> to vector<520xf32>
    %broadcast_in_dim3A_172 = vector.shape_cast %reduce_sum3A_171 : vector<520xf32> to vector<520x1xf32>
    %div3A_173 = arith.constant 2.560000e+02 : f32
    %div3A_174 = vector.broadcast %div3A_173 : f32 to vector<520x1xf32>
    %div3A_175 = arith.divf %broadcast_in_dim3A_172, %div3A_174 : vector<520x1xf32>
    %sub3A_176 = vector.broadcast %div3A_175 : vector<520x1xf32> to vector<520x256xf32>
    %sub3A_177 = arith.subf %scan3A_120#1, %sub3A_176 : vector<520x256xf32>
    %integer_pow3A_178 = arith.mulf %sub3A_177, %sub3A_177 : vector<520x256xf32>
    %reduce_sum3A_179 = arith.constant dense<0.000000e+00> : vector<520xf32>
    %reduce_sum3A_180 = vector.multi_reduction <add>, %integer_pow3A_178, %reduce_sum3A_179 [1] : vector<520x256xf32> to vector<520xf32>
    %broadcast_in_dim3A_181 = vector.shape_cast %reduce_sum3A_180 : vector<520xf32> to vector<520x1xf32>
    %div3A_182 = arith.constant 2.560000e+02 : f32
    %div3A_183 = vector.broadcast %div3A_182 : f32 to vector<520x1xf32>
    %div3A_184 = arith.divf %broadcast_in_dim3A_181, %div3A_183 : vector<520x1xf32>
    %sub3A_185 = vector.broadcast %div3A_175 : vector<520x1xf32> to vector<520x256xf32>
    %sub3A_186 = arith.subf %scan3A_120#1, %sub3A_185 : vector<520x256xf32>
    %add3A_187 = arith.constant 9.99999974E-6 : f32
    %add3A_188 = vector.broadcast %add3A_187 : f32 to vector<520x1xf32>
    %add3A_189 = arith.addf %div3A_184, %add3A_188 : vector<520x1xf32>
    %sqrt3A_190 = math.sqrt %add3A_189 : vector<520x1xf32>
    %div3A_191 = vector.broadcast %sqrt3A_190 : vector<520x1xf32> to vector<520x256xf32>
    %div3A_192 = arith.divf %sub3A_186, %div3A_191 : vector<520x256xf32>
    %mul3A_193 = vector.broadcast %get3A_166 : vector<1x256xf32> to vector<520x256xf32>
    %mul3A_194 = arith.mulf %div3A_192, %mul3A_193 : vector<520x256xf32>
    %add3A_195 = vector.broadcast %get3A_169 : vector<1x256xf32> to vector<520x256xf32>
    %add3A_196 = arith.addf %mul3A_194, %add3A_195 : vector<520x256xf32>
    %slice3A_197 = vector.extract_strided_slice %add3A_196 {offsets = [512, 0], sizes = [1, 256], strides = [1, 1]} : vector<520x256xf32> to vector<1x256xf32>
    %swap3A_198 = arith.constant 1 : index
    %swap3A_199 = arith.constant 0 : index
    %swap3A_200 = arith.constant 0 : index
    %swap3A_201 = vector.load %arg18[%swap3A_198, %swap3A_199, %swap3A_200] : memref<2x513x256xf32, #tpu.memory_space<vmem>>, vector<1x1x256xf32>
    %swap3A_202 = vector.shape_cast %swap3A_201 : vector<1x1x256xf32> to vector<1x256xf32>
    %swap3A_203 = vector.shape_cast %slice3A_197 : vector<1x256xf32> to vector<1x1x256xf32>
    tpu.vector_store %arg18[%swap3A_198, %swap3A_199, %swap3A_200], %swap3A_203 {strides = array<i32>} : memref<2x513x256xf32, #tpu.memory_space<vmem>>, vector<1x1x256xf32>,
    %slice3A_204 = vector.extract_strided_slice %add3A_196 {offsets = [0, 0], sizes = [512, 256], strides = [1, 1]} : vector<520x256xf32> to vector<512x256xf32>
    %swap3A_205 = arith.constant 1 : index
    %swap3A_206 = arith.constant 1 : index
    %swap3A_207 = arith.constant 0 : index
    %swap3A_208 = vector.load %arg18[%swap3A_205, %swap3A_206, %swap3A_207] : memref<2x513x256xf32, #tpu.memory_space<vmem>>, vector<1x512x256xf32>
    %swap3A_209 = vector.shape_cast %swap3A_208 : vector<1x512x256xf32> to vector<512x256xf32>
    %swap3A_210 = vector.shape_cast %slice3A_204 : vector<512x256xf32> to vector<1x512x256xf32>
    tpu.vector_store %arg18[%swap3A_205, %swap3A_206, %swap3A_207], %swap3A_210 {strides = array<i32>} : memref<2x513x256xf32, #tpu.memory_space<vmem>>, vector<1x512x256xf32>,
    return
  }
  func.func @transform_0(%arg0: i32) -> (i32, i32, i32) {
    %c0_i32 = arith.constant 0 : i32
    %c0_i32_0 = arith.constant 0 : i32
    %c0_i32_1 = arith.constant 0 : i32
    return %arg0, %c0_i32, %c0_i32_0 : i32, i32, i32
  }
  func.func @transform_1(%arg0: i32) -> (i32, i32, i32) {
    %c0_i32 = arith.constant 0 : i32
    %c0_i32_0 = arith.constant 0 : i32
    %c0_i32_1 = arith.constant 0 : i32
    return %arg0, %c0_i32, %c0_i32_0 : i32, i32, i32
  }
  func.func @transform_2(%arg0: i32) -> (i32, i32) {
    %c0_i32 = arith.constant 0 : i32
    %c0_i32_0 = arith.constant 0 : i32
    %c0_i32_1 = arith.constant 0 : i32
    return %c0_i32, %c0_i32_0 : i32, i32
  }
  func.func @transform_3(%arg0: i32) -> (i32, i32, i32) {
    %c0_i32 = arith.constant 0 : i32
    %c0_i32_0 = arith.constant 0 : i32
    %c0_i32_1 = arith.constant 0 : i32
    %c0_i32_2 = arith.constant 0 : i32
    return %c0_i32, %c0_i32_0, %c0_i32_1 : i32, i32, i32
  }
  func.func @transform_4(%arg0: i32) -> (i32, i32, i32) {
    %c0_i32 = arith.constant 0 : i32
    %c0_i32_0 = arith.constant 0 : i32
    %c0_i32_1 = arith.constant 0 : i32
    %c0_i32_2 = arith.constant 0 : i32
    return %c0_i32, %c0_i32_0, %c0_i32_1 : i32, i32, i32
  }
  func.func @transform_5(%arg0: i32) -> (i32, i32, i32) {
    %c0_i32 = arith.constant 0 : i32
    %c0_i32_0 = arith.constant 0 : i32
    %c0_i32_1 = arith.constant 0 : i32
    %c0_i32_2 = arith.constant 0 : i32
    return %c0_i32, %c0_i32_0, %c0_i32_1 : i32, i32, i32
  }
  func.func @transform_6(%arg0: i32) -> (i32, i32, i32) {
    %c0_i32 = arith.constant 0 : i32
    %c0_i32_0 = arith.constant 0 : i32
    %c0_i32_1 = arith.constant 0 : i32
    %c0_i32_2 = arith.constant 0 : i32
    return %c0_i32, %c0_i32_0, %c0_i32_1 : i32, i32, i32
  }
  func.func @transform_7(%arg0: i32) -> (i32, i32, i32) {
    %c0_i32 = arith.constant 0 : i32
    %c0_i32_0 = arith.constant 0 : i32
    %c0_i32_1 = arith.constant 0 : i32
    %c0_i32_2 = arith.constant 0 : i32
    return %c0_i32, %c0_i32_0, %c0_i32_1 : i32, i32, i32
  }
  func.func @transform_8(%arg0: i32) -> (i32, i32, i32) {
    %c0_i32 = arith.constant 0 : i32
    %c0_i32_0 = arith.constant 0 : i32
    %c0_i32_1 = arith.constant 0 : i32
    %c0_i32_2 = arith.constant 0 : i32
    return %c0_i32, %c0_i32_0, %c0_i32_1 : i32, i32, i32
  }
  func.func @transform_9(%arg0: i32) -> (i32, i32, i32) {
    %c0_i32 = arith.constant 0 : i32
    %c0_i32_0 = arith.constant 0 : i32
    %c0_i32_1 = arith.constant 0 : i32
    %c0_i32_2 = arith.constant 0 : i32
    return %c0_i32, %c0_i32_0, %c0_i32_1 : i32, i32, i32
  }
  func.func @transform_10(%arg0: i32) -> (i32, i32, i32) {
    %c0_i32 = arith.constant 0 : i32
    %c0_i32_0 = arith.constant 0 : i32
    %c0_i32_1 = arith.constant 0 : i32
    %c0_i32_2 = arith.constant 0 : i32
    return %c0_i32, %c0_i32_0, %c0_i32_1 : i32, i32, i32
  }
  func.func @transform_11(%arg0: i32) -> (i32, i32, i32) {
    %c0_i32 = arith.constant 0 : i32
    %c0_i32_0 = arith.constant 0 : i32
    %c0_i32_1 = arith.constant 0 : i32
    %c0_i32_2 = arith.constant 0 : i32
    return %c0_i32, %c0_i32_0, %c0_i32_1 : i32, i32, i32
  }
  func.func @transform_12(%arg0: i32) -> (i32, i32, i32) {
    %c0_i32 = arith.constant 0 : i32
    %c0_i32_0 = arith.constant 0 : i32
    %c0_i32_1 = arith.constant 0 : i32
    %c0_i32_2 = arith.constant 0 : i32
    return %c0_i32, %c0_i32_0, %c0_i32_1 : i32, i32, i32
  }
  func.func @transform_13(%arg0: i32) -> (i32, i32, i32) {
    %c0_i32 = arith.constant 0 : i32
    %c0_i32_0 = arith.constant 0 : i32
    %c0_i32_1 = arith.constant 0 : i32
    %c0_i32_2 = arith.constant 0 : i32
    return %c0_i32, %c0_i32_0, %c0_i32_1 : i32, i32, i32
  }
  func.func @transform_14(%arg0: i32) -> (i32, i32, i32) {
    %c0_i32 = arith.constant 0 : i32
    %c0_i32_0 = arith.constant 0 : i32
    %c0_i32_1 = arith.constant 0 : i32
    %c0_i32_2 = arith.constant 0 : i32
    return %c0_i32, %c0_i32_0, %c0_i32_1 : i32, i32, i32
  }
  func.func @transform_15(%arg0: i32) -> (i32, i32) {
    %c0_i32 = arith.constant 0 : i32
    %c0_i32_0 = arith.constant 0 : i32
    %c0_i32_1 = arith.constant 0 : i32
    return %c0_i32, %c0_i32_0 : i32, i32
  }
  func.func @transform_16(%arg0: i32) -> (i32, i32) {
    %c0_i32 = arith.constant 0 : i32
    %c0_i32_0 = arith.constant 0 : i32
    %c0_i32_1 = arith.constant 0 : i32
    return %c0_i32, %c0_i32_0 : i32, i32
  }
  func.func @transform_17(%arg0: i32) -> (i32, i32, i32) {
    %c0_i32 = arith.constant 0 : i32
    %c0_i32_0 = arith.constant 0 : i32
    %c0_i32_1 = arith.constant 0 : i32
    return %arg0, %c0_i32, %c0_i32_0 : i32, i32, i32
  }
}

</mosaic_0001>

<sc_bundles>
// kernel: kernel.4.cloned.1.call-start
scs
__scs_entry_jumppad:
0x0: {  	(pc) =	sbr.rel $0x88, $3  }
0x1: {  	(tag) =	ssettag $0x0;
	lr =	simm.s32 $0x1  }
0x2: {  	[smem:$0x3F8E] =	sst lr;
	_ =	strace $0xD0000000  }
0x3: {  	_ = 	snop  }
0x4: {  	_ = 	snop  }
0x5: {  	_ = 	snop  }
0x6: {  	_ = 	snop  }
0x7: {  	_ = 	snop  }
__scs_overlays_trampoline_lowered:
0x8: {  	[smem:$0x3F9D] =	sst s0  }
0x9: {  	[smem:$0x3F9E] =	sst s1  }
0xa: {  	[smem:$0x3F9F] =	sst s2  }
0xb: {  	[smem:$0x3FA0] =	sst s3  }
0xc: {  	[smem:$0x3FA1] =	sst s4  }
0xd: {  	[smem:$0x3FA2] =	sst s5  }
0xe: {  	[smem:$0x3FA3] =	sst s6  }
0xf: {  	[smem:$0x3FA4] =	sst s7  }
0x10: {  	[smem:$0x3FA5] =	sst s8  }
0x11: {  	[smem:$0x3FA6] =	sst s9;
	s0 =	simm.s32 @!p0 $0x0  }
0x12: {  	s1 =	sld [smem:$0x3F8C];
	s0 =	simm.s32 @p0 $0x1  }
0x13: {  	[smem:$0x3FA7] =	sst s0;
	s0 =	simm.s32 @!p1 $0x0  }
0x14: {  	s2 =	sld [smem:$0x3F8B];
	s0 =	simm.s32 @p1 $0x1  }
0x15: {  	[smem:$0x3FA8] =	sst s0;
	s0 =	simm.s32 @!p2 $0x0  }
0x16: {  	s3 =	sld [smem:$0x3FDB];
	s0 =	simm.s32 @p2 $0x1  }
0x17: {  	s4 =	simm.s32 $0x1BF5;
	[smem:$0x3FAA] =	sst s0  }
0x18: {  	s0 =	sld [smem:$0x3F8D];
	_ =	swait.ge [sflag:s4], $0x0  }
0x19: {  	s7 =	sld [smem:$0x3F8E]  }
0x1a: {  	s8 =	sadd.s32 $0xFFFFE003, lr  }
0x1b: {  	s9 =	sadd.s32 $0xFFFFFEF7, lr;
	s5 =	simm.s32 $0xFFFFFFFF;
	p2 =	slt.u32 s8, $0xFFFFF086  }
0x1c: {  	p1 =	slt.u32 s9, $0xF7A;
	s5 =	simm.s32 @!p2 $0x0  }
0x1d: {  	s5 =	simm.s32 @p1 $0x1;
	p0 =	seq.s32 s7, s2  }
0x1e: {  	s7 =	smul.u32 @!p0 $0xF7A, s2;
	p2 =	seq.s32 @!p0 s5, $0x0  }
0x1f: {  	s9 =	smul.u32 $0xF7A, s1;
	s8 =	simm.s32 @!p0 $0x1BF5;
	p2 =	por !p2, p0  }
0x20: {  	[sflag:s8] =	ssyncset.s32 @!p0 $0xFFFFF086;
	s6 =	sadd.s32 @!p0 s3, s7;
	s7 =	simm.s32 @!p0 $0x108  }
0x21: {  	s3 =	sadd.s32 s3, s9;
	s6 =	sadd.s32 @!p0 $0x88, s6;
	s7 =	simm.s32 @p2 $0x1082  }
0x22: {  	[simem:s7], [sflag:s8] =	dma.local @!p0 [hbm:s6], $0xF7A  }
0x23: {  	s9 =	sor.u32 $0xD0000000, s2;
	s6 =	simm.s32 $0x108;
	_ =	swait.ge @!p0 [sflag:s8], $0x0  }
0x24: {  	s3 =	sadd.s32 $0x88, s3;
	s6 =	simm.s32 @!p1 $0x1082;
	[sflag:s4] =	ssyncset.s32 $0xFFFFF086  }
0x25: {  	[simem:s6], [sflag:s4] =	dma.local [hbm:s3], $0xF7A  }
0x26: {  	[smem:$0x3F8E] =	sst s1;
	(tag) =	ssettag s2;
	_ =	strace s9  }
0x27: {  	s1 =	sld [smem:$0x3F9E]  }
0x28: {  	s2 =	sld [smem:$0x3F9F]  }
0x29: {  	s4 =	sld [smem:$0x3FA1]  }
0x2a: {  	p0 =	seq.s32 s5, $0x0;
	s5 =	sld [smem:$0x3FA2]  }
0x2b: {  	s6 =	sld [smem:$0x3FA3]  }
0x2c: {  	s7 =	sld [smem:$0x3FA4]  }
0x2d: {  	s3 =	simm.s32 $0x108;
	s8 =	sld [smem:$0x3FA5]  }
0x2e: {  	s3 =	simm.s32 @!p0 $0x1082;
	s9 =	sld [smem:$0x3FA6]  }
0x2f: {  	lr =	sadd.s32 s0, s3;
	s0 =	sld [smem:$0x3F9D]  }
0x30: {  	s3 =	sld [smem:$0x3FA0]  }
0x31: {  	[smem:$0x3FA9] =	sst s10  }
0x32: {  	s10 =	sld [smem:$0x3FA7];
	_ =	sdelay $0x3  }
0x33: {  	p0 =	seq.s32 s10, $0x1;
	s10 =	sld [smem:$0x3FA9];
	_ =	sdelay $0x3  }
0x34: {  	[smem:$0x3FA9] =	sst s10  }
0x35: {  	s10 =	sld [smem:$0x3FA8];
	_ =	sdelay $0x3  }
0x36: {  	p1 =	seq.s32 s10, $0x1;
	s10 =	sld [smem:$0x3FA9];
	_ =	sdelay $0x3  }
0x37: {  	[smem:$0x3FA9] =	sst s10  }
0x38: {  	s10 =	sld [smem:$0x3FAA]  }
0x39: {  	_ = 	snop;
	(pc) =	sbr.ind lr, $3  }
0x3a: {  	_ = 	snop  }
0x3b: {  	_ = 	snop  }
0x3c: {  	p2 =	seq.s32 s10, $0x1;
	s10 =	sld [smem:$0x3FA9]  }
0x3d: {  	_ =	shalt  }
0x3e: {  	_ =	shalt  }
0x3f: {  	_ =	shalt  }
0x40: {  	_ =	shalt  }
0x41: {  	_ =	shalt  }
0x42: {  	_ =	shalt  }
0x43: {  	_ =	shalt  }
0x44: {  	_ =	shalt  }
0x45: {  	_ =	shalt  }
0x46: {  	_ =	shalt  }
0x47: {  	_ =	shalt  }
0x48: {  	_ =	shalt  }
0x49: {  	_ =	shalt  }
0x4a: {  	_ =	shalt  }
0x4b: {  	_ =	shalt  }
0x4c: {  	_ =	shalt  }
0x4d: {  	_ =	shalt  }
0x4e: {  	_ =	shalt  }
0x4f: {  	_ =	shalt  }
0x50: {  	_ =	shalt  }
0x51: {  	_ =	shalt  }
0x52: {  	_ =	shalt  }
0x53: {  	_ =	shalt  }
0x54: {  	_ =	shalt  }
0x55: {  	_ =	shalt  }
0x56: {  	_ =	shalt  }
0x57: {  	_ =	shalt  }
0x58: {  	_ =	shalt  }
0x59: {  	_ =	shalt  }
0x5a: {  	_ =	shalt  }
0x5b: {  	_ =	shalt  }
0x5c: {  	_ =	shalt  }
0x5d: {  	_ =	shalt  }
0x5e: {  	_ =	shalt  }
0x5f: {  	_ =	shalt  }
0x60: {  	_ =	shalt  }
0x61: {  	_ =	shalt  }
0x62: {  	_ =	shalt  }
0x63: {  	_ =	shalt  }
0x64: {  	_ =	shalt  }
0x65: {  	_ =	shalt  }
0x66: {  	_ =	shalt  }
0x67: {  	_ =	shalt  }
0x68: {  	_ =	shalt  }
0x69: {  	_ =	shalt  }
0x6a: {  	_ =	shalt  }
0x6b: {  	_ =	shalt  }
0x6c: {  	_ =	shalt  }
0x6d: {  	_ =	shalt  }
0x6e: {  	_ =	shalt  }
0x6f: {  	_ =	shalt  }
0x70: {  	_ =	shalt  }
0x71: {  	_ =	shalt  }
0x72: {  	_ =	shalt  }
0x73: {  	_ =	shalt  }
0x74: {  	_ =	shalt  }
0x75: {  	_ =	shalt  }
0x76: {  	_ =	shalt  }
0x77: {  	_ =	shalt  }
0x78: {  	_ =	shalt  }
0x79: {  	_ =	shalt  }
0x7a: {  	_ =	shalt  }
0x7b: {  	_ =	shalt  }
0x7c: {  	_ =	shalt  }
0x7d: {  	_ =	shalt  }
0x7e: {  	_ =	shalt  }
0x7f: {  	_ =	shalt  }
0x80: {  	_ =	shalt  }
0x81: {  	_ =	shalt  }
0x82: {  	_ =	shalt  }
0x83: {  	_ =	shalt  }
0x84: {  	_ =	shalt  }
0x85: {  	_ =	shalt  }
0x86: {  	_ =	shalt  }
0x87: {  	_ =	shalt  }
.Lfunc_end0:
.L_simem_size_0:
called_computation_lowered:
.L_overlay_start_0:
0x88: {  	s2 =	sld [smem:$0x3FD9]  }
0x89: {  	s3 =	sld [smem:$0x3FFE];
	_ =	sdelay $0x1  }
0x8a: {  	s1 =	srdreg.scid  }
0x8b: {  	s0 =	sand.u32 $0x1, s1  }
0x8c: {  	s14 =	sshll.u32 s0, $0xA;
	s2 =	sadd.s32 s3, s2  }
0x8d: {  	s2 =	sadd.s32 s2, s14  }
0x8e: {  	[smem:$0x3FB5] =	sst s2  }
0x8f: {  	_ = 	snop  }
0x90: {  	s2 =	sld [smem:$0x3FD0];
	_ =	sdelay $0x1  }
0x91: {  	s15 =	sld [smem:$0x3FC7]  }
0x92: {  	s5 =	simm.s32 $0xA;
	s6 =	simm.s32 $0x10;
	s4 =	sld [smem:$0x3FC6]  }
0x93: {  	[smem:s6], [sflag:s5] =	dma.local [hbm:s2], $0x1  }
0x94: {  	_ =	swait.eq [sflag:s5], $0x1  }
0x95: {  	[sflag:s5] =	ssyncset.done $0x0  }
0x96: {  	[sflag:s5] =	ssyncadd.s32 $0xFFFFFFFF  }
0x97: {  	s16 =	sld [smem:$0x10];
	(tm) =	ssettm $0x1  }
0x98: {  	s17 =	sld [smem:$0x3FFB];
	_ =	sdelay $0x3  }
0x99: {  	_ =	strace s17  }
0x9a: {  	s5 =	sld [smem:$0x3FFC];
	_ =	sdelay $0x3  }
0x9b: {  	_ =	strace s5  }
0x9c: {  	s5 =	sld [smem:$0x3FFD];
	_ =	sdelay $0x3  }
0x9d: {  	_ =	strace s5  }
0x9e: {  	_ =	strace $0x8FFFFFFF  }
0x9f: {  	s18 =	sld [smem:$0x3FDB];
	_ =	sdelay $0x1  }
0xa0: {  	s19 =	simm.s32 $_scs_section_size  }
0xa1: {  	s7 =	simm.s32 $_size__tile_overlayer_lowered;
	s8 =	simm.s32 $_tile_overlayer_lowered  }
0xa2: {  	s22 =	simm.s32 $0x1BFF;
	s21 =	sshll.u32 s8, $0x1;
	s5 =	sadd.s32 s19, s18  }
0xa3: {  	s9 =	simm.s32 $0x0;
	s20 =	sshll.u32 s7, $0x1;
	s7 =	sadd.s32 s21, s5  }
0xa4: {  	[timem:s9], [sflag:s22] =	dma.local [hbm:s7], s20  }
0xa5: {  	_ =	swait.ge [sflag:s22], s20  }
0xa6: {  	s6 =	ssub.s32 $0x0, s20;
	[sflag:s22] =	ssyncset.done $0x0  }
0xa7: {  	[sflag:s22] =	ssyncadd.s32 s6;
	_ =	sdelay $0x1  }
0xa8: {  	s23 =	simm.s32 $0x1B8B  }
0xa9: {  	_ =	swait.ge [sflag:s23], $0x1  }
0xaa: {  	[sflag:s23] =	ssyncset.done $0x0  }
0xab: {  	s25 =	simm.s32 $0x1B8E;
	s24 =	sld [smem:$0x3FFE];
	[sflag:s23] =	ssyncadd.s32 $0xFFFFFFFF  }
0xac: {  	s26 =	simm.s32 $execute0_lowered;
	[smem:$0x3FD2] =	sst s25  }
0xad: {  	s7 =	sshll.u32 s26, $0x1;
	_ =	strace $0x80000046;
	[dreg:$0x1] =	wrdreg $0xFFFFFFFF  }
0xae: {  	s28 =	simm.s32 $_size_execute0_lowered;
	s5 =	sadd.s32 s5, s7;
	[dreg:$0x0] =	wrdreg $0x0  }
0xaf: {  	s7 =	sshll.u32 s28, $0x1;
	[dreg:$0x2] =	wrdreg s5  }
0xb0: {  	[dreg:$0x3] =	wrdreg s7  }
0xb1: {  	[dreg:$0x4] =	wrdreg $0xC0  }
0xb2: {  	_ =	task [dreg:s9], $0x5FFFF  }
0xb3: {  	[dreg:$0x1] =	wrdreg $0xFFFFFFFF  }
0xb4: {  	[dreg:$0x0] =	wrdreg $0x60  }
0xb5: {  	[dreg:$0x2] =	wrdreg s24  }
0xb6: {  	[dreg:$0x3] =	wrdreg s15  }
0xb7: {  	[dreg:$0x4] =	wrdreg s4  }
0xb8: {  	[dreg:$0x5] =	wrdreg s16  }
0xb9: {  	[dreg:$0x6] =	wrdreg $0x9  }
0xba: {  	_ =	task.clear_ibuf [dreg:s9], $0x7FFFF;
	_ =	strace $0x90000046  }
0xbb: {  	s29 =	simm.s32 $0x9;
	_ =	strace $0x80000048  }
0xbc: {  	_ =	swait.ge [sflag:s29], $0x1  }
0xbd: {  	[sflag:s29] =	ssyncadd.s32 $0xFFFFFFFF  }
0xbe: {  	_ =	strace $0x90000048  }
0xbf: {  	_ =	sfence  }
0xc0: {  	s30 =	sld [smem:$0x0];
	_ =	sdelay $0x2  }
0xc1: {  	s31 =	sshll.u32 s1, $0xD;
	s1 =	sshrl.u32 s1, $0x2  }
0xc2: {  	s3 =	sand.u32 $0x4000, s31;
	s1 =	sadd.s32 s1, s30  }
0xc3: {  	s0 =	sor.u32 s3, s0;
	s1 =	sshll.u32 s1, $0x11  }
0xc4: {  	s0 =	sor.u32 s1, s0  }
0xc5: {  	s0 =	sadd.s32 $0x8F2B, s0  }
0xc6: {  	[sflag:s0] =	ssyncadd.remote.s32 $0x1  }
0xc7: {  	_ =	sfence.sel $0xFFFF  }
0xc8: {  	[dreg:$0x0] =	wrdreg $0xFFFFFFFF;
	(pc) =	sbr.abs _section_cstart, $3  }
0xc9: {  	[dreg:$0x1] =	wrdreg $0xFFFFFFFF  }
0xca: {  	_ =	task.clear_ibuf [dreg:s9], $0x2FFFF;
	_ =	strace $0x9FFFFFFF  }
0xcb: {  	(tm) =	ssettm $0x7FFFFFFF  }
tec
execute0_lowered:
.L_overlay_start_1:
0x0: {  	(tag) =	ssettag $0x1  }
0x1: {  	s0 =	rddreg [dreg:$0x0]  }
0x2: {  	s1 =	rddreg [dreg:$0x1]  }
0x3: {  	s3 =	rddreg [dreg:$0x2]  }
0x4: {  	s9 =	rddreg [dreg:$0x3];
	s4 =	srdreg.scid  }
0x5: {  	s2 =	stileid.u32;
	s28 =	simm.s32 $0x6900;
	s29 =	simm.s32 $0x7100  }
0x6: {  	s30 =	simm.s32 $0x7900;
	s31 =	simm.s32 $0x1;
	s5 =	sand.u32 $0x1, s4  }
0x7: {  	s4 =	simm.s32 $0x0;
	s6 =	sshll.u32 s2, $0x9;
	s10 =	sadd.s32 $0x3600, s0  }
0x8: {  	s7 =	sshll.u32 s5, $0x8;
	[smem:$0x7FF] =	sst s4;
	s5 =	ssub.s32 $0x2, s5  }
0x9: {  	s6 =	sor.u32 s7, s6;
	_ =	strace $0x80000047;
	s7 =	sadd.s32 $0x3200, s0  }
0xa: {  	s0 =	sadd.s32 $0x3A00, s0;
	s8 =	sshrl.u32 s6, $0x3;
	s26 =	sshll.u32 s6, $0x5  }
0xb: {  	s12 =	sor.u32 $0x40, s6;
	s19 =	sor.u32 $0x80, s6;
	s25 =	sor.u32 $0xC0, s6  }
0xc: {  	s11 =	sadd.s32 s7, s8;
	s8 =	sadd.s32 s10, s8;
	s2 =	sadd.s32 s9, s26  }
0xd: {  	s13 =	sadd.s32 s0, s26;
	s14 =	sshrl.u32 s12, $0x3;
	[dreg:$0x5] =	wrdreg s11  }
0xe: {  	s17 =	sshll.u32 s12, $0x5;
	s21 =	sshrl.u32 s19, $0x3;
	[dreg:$0x6] =	wrdreg s8  }
0xf: {  	s24 =	sshll.u32 s19, $0x5;
	s26 =	sshrl.u32 s25, $0x3;
	[dreg:$0x7] =	wrdreg s2  }
0x10: {  	s12 =	simm.s32 $0x3;
	s19 =	simm.s32 $0x2900;
	[dreg:$0x8] =	wrdreg s13  }
0x11: {  	s15 =	sadd.s32 s7, s14;
	s16 =	sadd.s32 s10, s14;
	s18 =	sadd.s32 s9, s17  }
0x12: {  	s20 =	sadd.s32 s0, s17;
	s13 =	sshrl.u32 s5, $0x1;
	s22 =	sadd.s32 s7, s21  }
0x13: {  	s23 =	sadd.s32 s10, s21;
	s6 =	sadd.s32 s0, s24;
	[dreg:$0x9] =	wrdreg s15  }
0x14: {  	s7 =	sadd.s32 s7, s26;
	s11 =	sshll.u32 s25, $0x5;
	[dreg:$0xa] =	wrdreg s16  }
0x15: {  	s8 =	sadd.s32 s10, s26;
	s14 =	simm.s32 $0x100;
	[dreg:$0xb] =	wrdreg s18  }
0x16: {  	s17 =	simm.s32 $0x1900;
	s21 =	simm.s32 $0x3900;
	[dreg:$0xc] =	wrdreg s20  }
0x17: {  	s25 =	simm.s32 $0x5900;
	s26 =	simm.s32 $0x6100;
	[dreg:$0xd] =	wrdreg s22  }
0x18: {  	s13 =	ssub.s32 s5, s13;
	[dreg:$0xe] =	wrdreg s23;
	s5 =	sadd.s32 s9, s24  }
0x19: {  	s9 =	sadd.s32 s9, s11;
	s10 =	sadd.s32 s0, s11;
	s15 =	simm.s32 $0x900  }
0x1a: {  	v2 =	vlaneseq.u32;
	s16 =	simm.s32 $0x1100;
	s18 =	simm.s32 $0x2100;
	s20 =	simm.s32 $0x3100  }
0x1b: {  	vm0 =	vmmov $0xffff;
	v1 =	vshrl.u32 v2, $0x3;
	s22 =	simm.s32 $0x4100;
	s23 =	simm.s32 $0x4900;
	s24 =	simm.s32 $0x5100  }
0x1c: {  	v0 =	vand.u32 $0x7, v2;
	v2 =	vor.u32 $0x8, v2;
	v1 =	vmul.u32 $0x8, v1;
	s0 =	simm.s32 $0x2;
	s11 =	smax.u32 s13, $0x1;
	s13 =	simm.s32 $0x80  }
.LBB2_1:
0x1d: {  	s2 =	rddreg [dreg:$0x5]  }
0x1e: {  	[tilespmem:s4], [sflag:$0x3] =	stream.linear.gather [hbm4b:s2+s4], $0x40, $0x38;
	[tilespmem:$0x8100] =	vst v63  }
0x1f: {  	_ =	swait.ge [sflag:s12], $0x40  }
0x20: {  	[sflag:s12] =	ssyncset.done $0x0  }
0x21: {  	s2 =	rddreg [dreg:$0x6];
	[sflag:s12] =	ssyncadd.s32 $0xFFFFFFC0  }
0x22: {  	[tilespmem:s13], [sflag:$0x3] =	stream.linear.gather [hbm4b:s2+s4], $0x40, $0x38;
	[tilespmem:$0x8100] =	vst v63  }
0x23: {  	_ =	swait.ge [sflag:s12], $0x40  }
0x24: {  	[sflag:s12] =	ssyncset.done $0x0  }
0x25: {  	[sflag:s12] =	ssyncadd.s32 $0xFFFFFFC0  }
0x26: {  	v3 =	vld [tilespmem:$0x0];
	_ =	sdelay $0x4  }
0x27: {  	v4 =	vshll.u32 v3, $0x1  }
0x28: {  	v3 =	vand.u32 $0x7, v3;
	v4 =	vand.u32 $0xFFFFFFF0, v4  }
0x29: {  	v3 =	vor.u32 v3, v4  }
0x2a: {  	v4 =	vperm.xlane v3, v0;
	_ =	sdelay $0x1  }
0x2b: {  	v3 =	vperm.xlane v3, v2;
	v4 =	vadd.s32 v1, v4;
	_ =	sdelay $0x1  }
0x2c: {  	v3 =	vadd.s32 v1, v3;
	_ =	sdelay $0x2  }
0x2d: {  	[tilespmem:s14], [sflag:$0x1] =	stream.indirect_vreg.gather [hbm4b:s1+s4], $0x80, v4, vm0, $0xb8;
	[tilespmem:$0x8100] =	vst v63  }
0x2e: {  	_ = 	snop  }
0x2f: {  	[tilespmem:s15], [sflag:$0x1] =	stream.indirect_vreg.gather [hbm4b:s1+s4], $0x80, v3, vm0, $0xb8;
	[tilespmem:$0x8100] =	vst v63  }
0x30: {  	v3 =	vld [tilespmem:$0x10];
	_ =	sdelay $0x4  }
0x31: {  	v33 =	vshll.u32 v3, $0x1  }
0x32: {  	v3 =	vand.u32 $0x7, v3;
	v4 =	vand.u32 $0xFFFFFFF0, v33  }
0x33: {  	v3 =	vor.u32 v3, v4  }
0x34: {  	v4 =	vperm.xlane v3, v0;
	_ =	sdelay $0x1  }
0x35: {  	v3 =	vperm.xlane v3, v2;
	v4 =	vadd.s32 v1, v4;
	_ =	sdelay $0x1  }
0x36: {  	v3 =	vadd.s32 v1, v3;
	_ =	sdelay $0x2  }
0x37: {  	[tilespmem:s16], [sflag:$0x1] =	stream.indirect_vreg.gather [hbm4b:s1+s4], $0x80, v4, vm0, $0xb8;
	[tilespmem:$0x8100] =	vst v63  }
0x38: {  	_ = 	snop  }
0x39: {  	[tilespmem:s17], [sflag:$0x1] =	stream.indirect_vreg.gather [hbm4b:s1+s4], $0x80, v3, vm0, $0xb8;
	[tilespmem:$0x8100] =	vst v63  }
0x3a: {  	v3 =	vld [tilespmem:$0x20];
	_ =	sdelay $0x4  }
0x3b: {  	v34 =	vshll.u32 v3, $0x1  }
0x3c: {  	v3 =	vand.u32 $0x7, v3;
	v4 =	vand.u32 $0xFFFFFFF0, v34  }
0x3d: {  	v3 =	vor.u32 v3, v4  }
0x3e: {  	v4 =	vperm.xlane v3, v0;
	_ =	sdelay $0x1  }
0x3f: {  	v3 =	vperm.xlane v3, v2;
	v4 =	vadd.s32 v1, v4;
	_ =	sdelay $0x1  }
0x40: {  	v3 =	vadd.s32 v1, v3;
	_ =	sdelay $0x2  }
0x41: {  	[tilespmem:s18], [sflag:$0x1] =	stream.indirect_vreg.gather [hbm4b:s1+s4], $0x80, v4, vm0, $0xb8;
	[tilespmem:$0x8100] =	vst v63  }
0x42: {  	_ = 	snop  }
0x43: {  	[tilespmem:s19], [sflag:$0x1] =	stream.indirect_vreg.gather [hbm4b:s1+s4], $0x80, v3, vm0, $0xb8;
	[tilespmem:$0x8100] =	vst v63  }
0x44: {  	v3 =	vld [tilespmem:$0x30];
	_ =	sdelay $0x4  }
0x45: {  	v35 =	vshll.u32 v3, $0x1  }
0x46: {  	v3 =	vand.u32 $0x7, v3;
	v4 =	vand.u32 $0xFFFFFFF0, v35  }
0x47: {  	v3 =	vor.u32 v3, v4  }
0x48: {  	v4 =	vperm.xlane v3, v0;
	_ =	sdelay $0x1  }
0x49: {  	v3 =	vperm.xlane v3, v2;
	v4 =	vadd.s32 v1, v4;
	_ =	sdelay $0x1  }
0x4a: {  	v3 =	vadd.s32 v1, v3;
	_ =	sdelay $0x2  }
0x4b: {  	[tilespmem:s20], [sflag:$0x1] =	stream.indirect_vreg.gather [hbm4b:s1+s4], $0x80, v4, vm0, $0xb8;
	[tilespmem:$0x8100] =	vst v63  }
0x4c: {  	_ = 	snop  }
0x4d: {  	[tilespmem:s21], [sflag:$0x1] =	stream.indirect_vreg.gather [hbm4b:s1+s4], $0x80, v3, vm0, $0xb8;
	[tilespmem:$0x8100] =	vst v63  }
0x4e: {  	v3 =	vld [tilespmem:$0x80];
	_ =	sdelay $0x4  }
0x4f: {  	v36 =	vshll.u32 v3, $0x1  }
0x50: {  	v3 =	vand.u32 $0x7, v3;
	v4 =	vand.u32 $0xFFFFFFF0, v36  }
0x51: {  	v3 =	vor.u32 v3, v4  }
0x52: {  	v4 =	vperm.xlane v3, v0;
	_ =	sdelay $0x1  }
0x53: {  	v3 =	vperm.xlane v3, v2;
	v4 =	vadd.s32 v1, v4;
	_ =	sdelay $0x1  }
0x54: {  	v3 =	vadd.s32 v1, v3;
	_ =	sdelay $0x2  }
0x55: {  	[tilespmem:s22], [sflag:$0x2] =	stream.indirect_vreg.gather [hbm4b:s3+s4], $0x80, v4, vm0, $0xb8;
	[tilespmem:$0x8100] =	vst v63  }
0x56: {  	_ = 	snop  }
0x57: {  	[tilespmem:s23], [sflag:$0x2] =	stream.indirect_vreg.gather [hbm4b:s3+s4], $0x80, v3, vm0, $0xb8;
	[tilespmem:$0x8100] =	vst v63  }
0x58: {  	v3 =	vld [tilespmem:$0x90];
	_ =	sdelay $0x4  }
0x59: {  	v37 =	vshll.u32 v3, $0x1  }
0x5a: {  	v3 =	vand.u32 $0x7, v3;
	v4 =	vand.u32 $0xFFFFFFF0, v37  }
0x5b: {  	v3 =	vor.u32 v3, v4  }
0x5c: {  	v4 =	vperm.xlane v3, v0;
	_ =	sdelay $0x1  }
0x5d: {  	v3 =	vperm.xlane v3, v2;
	v4 =	vadd.s32 v1, v4;
	_ =	sdelay $0x1  }
0x5e: {  	v3 =	vadd.s32 v1, v3;
	_ =	sdelay $0x2  }
0x5f: {  	[tilespmem:s24], [sflag:$0x2] =	stream.indirect_vreg.gather [hbm4b:s3+s4], $0x80, v4, vm0, $0xb8;
	[tilespmem:$0x8100] =	vst v63  }
0x60: {  	_ = 	snop  }
0x61: {  	[tilespmem:s25], [sflag:$0x2] =	stream.indirect_vreg.gather [hbm4b:s3+s4], $0x80, v3, vm0, $0xb8;
	[tilespmem:$0x8100] =	vst v63  }
0x62: {  	v3 =	vld [tilespmem:$0xA0];
	_ =	sdelay $0x4  }
0x63: {  	v38 =	vshll.u32 v3, $0x1  }
0x64: {  	v3 =	vand.u32 $0x7, v3;
	v4 =	vand.u32 $0xFFFFFFF0, v38  }
0x65: {  	v3 =	vor.u32 v3, v4  }
0x66: {  	v4 =	vperm.xlane v3, v0;
	_ =	sdelay $0x1  }
0x67: {  	v3 =	vperm.xlane v3, v2;
	v4 =	vadd.s32 v1, v4;
	_ =	sdelay $0x1  }
0x68: {  	v3 =	vadd.s32 v1, v3;
	_ =	sdelay $0x2  }
0x69: {  	[tilespmem:s26], [sflag:$0x2] =	stream.indirect_vreg.gather [hbm4b:s3+s4], $0x80, v4, vm0, $0xb8;
	[tilespmem:$0x8100] =	vst v63  }
0x6a: {  	_ = 	snop  }
0x6b: {  	[tilespmem:s28], [sflag:$0x2] =	stream.indirect_vreg.gather [hbm4b:s3+s4], $0x80, v3, vm0, $0xb8;
	[tilespmem:$0x8100] =	vst v63  }
0x6c: {  	v3 =	vld [tilespmem:$0xB0];
	_ =	sdelay $0x4  }
0x6d: {  	v39 =	vshll.u32 v3, $0x1  }
0x6e: {  	v3 =	vand.u32 $0x7, v3;
	v4 =	vand.u32 $0xFFFFFFF0, v39  }
0x6f: {  	v3 =	vor.u32 v3, v4  }
0x70: {  	v4 =	vperm.xlane v3, v0;
	_ =	sdelay $0x1  }
0x71: {  	v3 =	vperm.xlane v3, v2;
	v4 =	vadd.s32 v1, v4;
	_ =	sdelay $0x1  }
0x72: {  	v3 =	vadd.s32 v1, v3;
	_ =	sdelay $0x2  }
0x73: {  	[tilespmem:s29], [sflag:$0x2] =	stream.indirect_vreg.gather [hbm4b:s3+s4], $0x80, v4, vm0, $0xb8;
	[tilespmem:$0x8100] =	vst v63  }
0x74: {  	_ = 	snop  }
0x75: {  	[tilespmem:s30], [sflag:$0x2] =	stream.indirect_vreg.gather [hbm4b:s3+s4], $0x80, v3, vm0, $0xb8;
	[tilespmem:$0x8100] =	vst v63  }
0x76: {  	_ =	swait.ge [sflag:s31], $0x4000  }
0x77: {  	[sflag:s31] =	ssyncset.done $0x0  }
0x78: {  	[sflag:s31] =	ssyncadd.s32 $0xFFFFC000  }
0x79: {  	_ =	swait.ge [sflag:s0], $0x4000  }
0x7a: {  	[sflag:s0] =	ssyncset.done $0x0  }
0x7b: {  	s2 =	rddreg [dreg:$0x7];
	[sflag:s0] =	ssyncadd.s32 $0xFFFFC000  }
0x7c: {  	[hbm4b:s2+s4] =	stream.linear.scatter [tilespmem:s14], [sflag:$0x3], $0x4000, $0x38;
	[tilespmem:$0x8100] =	vst v63  }
0x7d: {  	_ =	swait.ge [sflag:s12], $0x4000  }
0x7e: {  	[sflag:s12] =	ssyncset.done $0x0  }
0x7f: {  	s2 =	rddreg [dreg:$0x8];
	[sflag:s12] =	ssyncadd.s32 $0xFFFFC000  }
0x80: {  	[hbm4b:s2+s4] =	stream.linear.scatter [tilespmem:s22], [sflag:$0x3], $0x4000, $0x38;
	[tilespmem:$0x8100] =	vst v63  }
0x81: {  	_ =	swait.ge [sflag:s12], $0x4000  }
0x82: {  	[sflag:s12] =	ssyncset.done $0x0  }
0x83: {  	s2 =	rddreg [dreg:$0x9];
	[sflag:s12] =	ssyncadd.s32 $0xFFFFC000  }
0x84: {  	[tilespmem:s4], [sflag:$0x3] =	stream.linear.gather [hbm4b:s2+s4], $0x40, $0x38;
	[tilespmem:$0x8100] =	vst v63  }
0x85: {  	_ =	swait.ge [sflag:s12], $0x40  }
0x86: {  	[sflag:s12] =	ssyncset.done $0x0  }
0x87: {  	s2 =	rddreg [dreg:$0xa];
	[sflag:s12] =	ssyncadd.s32 $0xFFFFFFC0  }
0x88: {  	[tilespmem:s13], [sflag:$0x3] =	stream.linear.gather [hbm4b:s2+s4], $0x40, $0x38;
	[tilespmem:$0x8100] =	vst v63  }
0x89: {  	_ =	swait.ge [sflag:s12], $0x40  }
0x8a: {  	[sflag:s12] =	ssyncset.done $0x0  }
0x8b: {  	[sflag:s12] =	ssyncadd.s32 $0xFFFFFFC0  }
0x8c: {  	v3 =	vld [tilespmem:$0x0];
	_ =	sdelay $0x4  }
0x8d: {  	v40 =	vshll.u32 v3, $0x1  }
0x8e: {  	v3 =	vand.u32 $0x7, v3;
	v4 =	vand.u32 $0xFFFFFFF0, v40  }
0x8f: {  	v3 =	vor.u32 v3, v4  }
0x90: {  	v4 =	vperm.xlane v3, v0;
	_ =	sdelay $0x1  }
0x91: {  	v3 =	vperm.xlane v3, v2;
	v4 =	vadd.s32 v1, v4;
	_ =	sdelay $0x1  }
0x92: {  	v3 =	vadd.s32 v1, v3;
	_ =	sdelay $0x2  }
0x93: {  	[tilespmem:s14], [sflag:$0x1] =	stream.indirect_vreg.gather [hbm4b:s1+s4], $0x80, v4, vm0, $0xb8;
	[tilespmem:$0x8100] =	vst v63  }
0x94: {  	_ = 	snop  }
0x95: {  	[tilespmem:s15], [sflag:$0x1] =	stream.indirect_vreg.gather [hbm4b:s1+s4], $0x80, v3, vm0, $0xb8;
	[tilespmem:$0x8100] =	vst v63  }
0x96: {  	v3 =	vld [tilespmem:$0x10];
	_ =	sdelay $0x4  }
0x97: {  	v41 =	vshll.u32 v3, $0x1  }
0x98: {  	v3 =	vand.u32 $0x7, v3;
	v4 =	vand.u32 $0xFFFFFFF0, v41  }
0x99: {  	v3 =	vor.u32 v3, v4  }
0x9a: {  	v4 =	vperm.xlane v3, v0;
	_ =	sdelay $0x1  }
0x9b: {  	v3 =	vperm.xlane v3, v2;
	v4 =	vadd.s32 v1, v4;
	_ =	sdelay $0x1  }
0x9c: {  	v3 =	vadd.s32 v1, v3;
	_ =	sdelay $0x2  }
0x9d: {  	[tilespmem:s16], [sflag:$0x1] =	stream.indirect_vreg.gather [hbm4b:s1+s4], $0x80, v4, vm0, $0xb8;
	[tilespmem:$0x8100] =	vst v63  }
0x9e: {  	_ = 	snop  }
0x9f: {  	[tilespmem:s17], [sflag:$0x1] =	stream.indirect_vreg.gather [hbm4b:s1+s4], $0x80, v3, vm0, $0xb8;
	[tilespmem:$0x8100] =	vst v63  }
0xa0: {  	v3 =	vld [tilespmem:$0x20];
	_ =	sdelay $0x4  }
0xa1: {  	v42 =	vshll.u32 v3, $0x1  }
0xa2: {  	v3 =	vand.u32 $0x7, v3;
	v4 =	vand.u32 $0xFFFFFFF0, v42  }
0xa3: {  	v3 =	vor.u32 v3, v4  }
0xa4: {  	v4 =	vperm.xlane v3, v0;
	_ =	sdelay $0x1  }
0xa5: {  	v3 =	vperm.xlane v3, v2;
	v4 =	vadd.s32 v1, v4;
	_ =	sdelay $0x1  }
0xa6: {  	v3 =	vadd.s32 v1, v3;
	_ =	sdelay $0x2  }
0xa7: {  	[tilespmem:s18], [sflag:$0x1] =	stream.indirect_vreg.gather [hbm4b:s1+s4], $0x80, v4, vm0, $0xb8;
	[tilespmem:$0x8100] =	vst v63  }
0xa8: {  	_ = 	snop  }
0xa9: {  	[tilespmem:s19], [sflag:$0x1] =	stream.indirect_vreg.gather [hbm4b:s1+s4], $0x80, v3, vm0, $0xb8;
	[tilespmem:$0x8100] =	vst v63  }
0xaa: {  	v3 =	vld [tilespmem:$0x30];
	_ =	sdelay $0x4  }
0xab: {  	v43 =	vshll.u32 v3, $0x1  }
0xac: {  	v3 =	vand.u32 $0x7, v3;
	v4 =	vand.u32 $0xFFFFFFF0, v43  }
0xad: {  	v3 =	vor.u32 v3, v4  }
0xae: {  	v4 =	vperm.xlane v3, v0;
	_ =	sdelay $0x1  }
0xaf: {  	v3 =	vperm.xlane v3, v2;
	v4 =	vadd.s32 v1, v4;
	_ =	sdelay $0x1  }
0xb0: {  	v3 =	vadd.s32 v1, v3;
	_ =	sdelay $0x2  }
0xb1: {  	[tilespmem:s20], [sflag:$0x1] =	stream.indirect_vreg.gather [hbm4b:s1+s4], $0x80, v4, vm0, $0xb8;
	[tilespmem:$0x8100] =	vst v63  }
0xb2: {  	_ = 	snop  }
0xb3: {  	[tilespmem:s21], [sflag:$0x1] =	stream.indirect_vreg.gather [hbm4b:s1+s4], $0x80, v3, vm0, $0xb8;
	[tilespmem:$0x8100] =	vst v63  }
0xb4: {  	v3 =	vld [tilespmem:$0x80];
	_ =	sdelay $0x4  }
0xb5: {  	v44 =	vshll.u32 v3, $0x1  }
0xb6: {  	v3 =	vand.u32 $0x7, v3;
	v4 =	vand.u32 $0xFFFFFFF0, v44  }
0xb7: {  	v3 =	vor.u32 v3, v4  }
0xb8: {  	v4 =	vperm.xlane v3, v0;
	_ =	sdelay $0x1  }
0xb9: {  	v3 =	vperm.xlane v3, v2;
	v4 =	vadd.s32 v1, v4;
	_ =	sdelay $0x1  }
0xba: {  	v3 =	vadd.s32 v1, v3;
	_ =	sdelay $0x2  }
0xbb: {  	[tilespmem:s22], [sflag:$0x2] =	stream.indirect_vreg.gather [hbm4b:s3+s4], $0x80, v4, vm0, $0xb8;
	[tilespmem:$0x8100] =	vst v63  }
0xbc: {  	_ = 	snop  }
0xbd: {  	[tilespmem:s23], [sflag:$0x2] =	stream.indirect_vreg.gather [hbm4b:s3+s4], $0x80, v3, vm0, $0xb8;
	[tilespmem:$0x8100] =	vst v63  }
0xbe: {  	v3 =	vld [tilespmem:$0x90];
	_ =	sdelay $0x4  }
0xbf: {  	v45 =	vshll.u32 v3, $0x1  }
0xc0: {  	v3 =	vand.u32 $0x7, v3;
	v4 =	vand.u32 $0xFFFFFFF0, v45  }
0xc1: {  	v3 =	vor.u32 v3, v4  }
0xc2: {  	v4 =	vperm.xlane v3, v0;
	_ =	sdelay $0x1  }
0xc3: {  	v3 =	vperm.xlane v3, v2;
	v4 =	vadd.s32 v1, v4;
	_ =	sdelay $0x1  }
0xc4: {  	v3 =	vadd.s32 v1, v3;
	_ =	sdelay $0x2  }
0xc5: {  	[tilespmem:s24], [sflag:$0x2] =	stream.indirect_vreg.gather [hbm4b:s3+s4], $0x80, v4, vm0, $0xb8;
	[tilespmem:$0x8100] =	vst v63  }
0xc6: {  	_ = 	snop  }
0xc7: {  	[tilespmem:s25], [sflag:$0x2] =	stream.indirect_vreg.gather [hbm4b:s3+s4], $0x80, v3, vm0, $0xb8;
	[tilespmem:$0x8100] =	vst v63  }
0xc8: {  	v3 =	vld [tilespmem:$0xA0];
	_ =	sdelay $0x4  }
0xc9: {  	v46 =	vshll.u32 v3, $0x1  }
0xca: {  	v3 =	vand.u32 $0x7, v3;
	v4 =	vand.u32 $0xFFFFFFF0, v46  }
0xcb: {  	v3 =	vor.u32 v3, v4  }
0xcc: {  	v4 =	vperm.xlane v3, v0;
	_ =	sdelay $0x1  }
0xcd: {  	v3 =	vperm.xlane v3, v2;
	v4 =	vadd.s32 v1, v4;
	_ =	sdelay $0x1  }
0xce: {  	v3 =	vadd.s32 v1, v3;
	_ =	sdelay $0x2  }
0xcf: {  	[tilespmem:s26], [sflag:$0x2] =	stream.indirect_vreg.gather [hbm4b:s3+s4], $0x80, v4, vm0, $0xb8;
	[tilespmem:$0x8100] =	vst v63  }
0xd0: {  	_ = 	snop  }
0xd1: {  	[tilespmem:s28], [sflag:$0x2] =	stream.indirect_vreg.gather [hbm4b:s3+s4], $0x80, v3, vm0, $0xb8;
	[tilespmem:$0x8100] =	vst v63  }
0xd2: {  	v3 =	vld [tilespmem:$0xB0];
	_ =	sdelay $0x4  }
0xd3: {  	v47 =	vshll.u32 v3, $0x1  }
0xd4: {  	v3 =	vand.u32 $0x7, v3;
	v4 =	vand.u32 $0xFFFFFFF0, v47  }
0xd5: {  	v3 =	vor.u32 v3, v4  }
0xd6: {  	v4 =	vperm.xlane v3, v0;
	_ =	sdelay $0x1  }
0xd7: {  	v3 =	vperm.xlane v3, v2;
	v4 =	vadd.s32 v1, v4;
	_ =	sdelay $0x1  }
0xd8: {  	v3 =	vadd.s32 v1, v3;
	_ =	sdelay $0x2  }
0xd9: {  	[tilespmem:s29], [sflag:$0x2] =	stream.indirect_vreg.gather [hbm4b:s3+s4], $0x80, v4, vm0, $0xb8;
	[tilespmem:$0x8100] =	vst v63  }
0xda: {  	_ = 	snop  }
0xdb: {  	[tilespmem:s30], [sflag:$0x2] =	stream.indirect_vreg.gather [hbm4b:s3+s4], $0x80, v3, vm0, $0xb8;
	[tilespmem:$0x8100] =	vst v63  }
0xdc: {  	_ =	swait.ge [sflag:s31], $0x4000  }
0xdd: {  	[sflag:s31] =	ssyncset.done $0x0  }
0xde: {  	[sflag:s31] =	ssyncadd.s32 $0xFFFFC000  }
0xdf: {  	_ =	swait.ge [sflag:s0], $0x4000  }
0xe0: {  	[sflag:s0] =	ssyncset.done $0x0  }
0xe1: {  	s2 =	rddreg [dreg:$0xb];
	[sflag:s0] =	ssyncadd.s32 $0xFFFFC000  }
0xe2: {  	[hbm4b:s2+s4] =	stream.linear.scatter [tilespmem:s14], [sflag:$0x3], $0x4000, $0x38;
	[tilespmem:$0x8100] =	vst v63  }
0xe3: {  	_ =	swait.ge [sflag:s12], $0x4000  }
0xe4: {  	[sflag:s12] =	ssyncset.done $0x0  }
0xe5: {  	s2 =	rddreg [dreg:$0xc];
	[sflag:s12] =	ssyncadd.s32 $0xFFFFC000  }
0xe6: {  	[hbm4b:s2+s4] =	stream.linear.scatter [tilespmem:s22], [sflag:$0x3], $0x4000, $0x38;
	[tilespmem:$0x8100] =	vst v63  }
0xe7: {  	_ =	swait.ge [sflag:s12], $0x4000  }
0xe8: {  	[sflag:s12] =	ssyncset.done $0x0  }
0xe9: {  	s2 =	rddreg [dreg:$0xd];
	[sflag:s12] =	ssyncadd.s32 $0xFFFFC000  }
0xea: {  	[tilespmem:s4], [sflag:$0x3] =	stream.linear.gather [hbm4b:s2+s4], $0x40, $0x38;
	[tilespmem:$0x8100] =	vst v63  }
0xeb: {  	_ =	swait.ge [sflag:s12], $0x40  }
0xec: {  	[sflag:s12] =	ssyncset.done $0x0  }
0xed: {  	s2 =	rddreg [dreg:$0xe];
	[sflag:s12] =	ssyncadd.s32 $0xFFFFFFC0  }
0xee: {  	[tilespmem:s13], [sflag:$0x3] =	stream.linear.gather [hbm4b:s2+s4], $0x40, $0x38;
	[tilespmem:$0x8100] =	vst v63  }
0xef: {  	_ =	swait.ge [sflag:s12], $0x40  }
0xf0: {  	[sflag:s12] =	ssyncset.done $0x0  }
0xf1: {  	[sflag:s12] =	ssyncadd.s32 $0xFFFFFFC0  }
0xf2: {  	v3 =	vld [tilespmem:$0x0];
	_ =	sdelay $0x4  }
0xf3: {  	v48 =	vshll.u32 v3, $0x1  }
0xf4: {  	v3 =	vand.u32 $0x7, v3;
	v4 =	vand.u32 $0xFFFFFFF0, v48  }
0xf5: {  	v3 =	vor.u32 v3, v4  }
0xf6: {  	v4 =	vperm.xlane v3, v0;
	_ =	sdelay $0x1  }
0xf7: {  	v3 =	vperm.xlane v3, v2;
	v4 =	vadd.s32 v1, v4;
	_ =	sdelay $0x1  }
0xf8: {  	v3 =	vadd.s32 v1, v3;
	_ =	sdelay $0x2  }
0xf9: {  	[tilespmem:s14], [sflag:$0x1] =	stream.indirect_vreg.gather [hbm4b:s1+s4], $0x80, v4, vm0, $0xb8;
	[tilespmem:$0x8100] =	vst v63  }
0xfa: {  	_ = 	snop  }
0xfb: {  	[tilespmem:s15], [sflag:$0x1] =	stream.indirect_vreg.gather [hbm4b:s1+s4], $0x80, v3, vm0, $0xb8;
	[tilespmem:$0x8100] =	vst v63  }
0xfc: {  	v3 =	vld [tilespmem:$0x10];
	_ =	sdelay $0x4  }
0xfd: {  	v49 =	vshll.u32 v3, $0x1  }
0xfe: {  	v3 =	vand.u32 $0x7, v3;
	v4 =	vand.u32 $0xFFFFFFF0, v49  }
0xff: {  	v3 =	vor.u32 v3, v4  }
0x100: {  	v4 =	vperm.xlane v3, v0;
	_ =	sdelay $0x1  }
0x101: {  	v3 =	vperm.xlane v3, v2;
	v4 =	vadd.s32 v1, v4;
	_ =	sdelay $0x1  }
0x102: {  	v3 =	vadd.s32 v1, v3;
	_ =	sdelay $0x2  }
0x103: {  	[tilespmem:s16], [sflag:$0x1] =	stream.indirect_vreg.gather [hbm4b:s1+s4], $0x80, v4, vm0, $0xb8;
	[tilespmem:$0x8100] =	vst v63  }
0x104: {  	_ = 	snop  }
0x105: {  	[tilespmem:s17], [sflag:$0x1] =	stream.indirect_vreg.gather [hbm4b:s1+s4], $0x80, v3, vm0, $0xb8;
	[tilespmem:$0x8100] =	vst v63  }
0x106: {  	v3 =	vld [tilespmem:$0x20];
	_ =	sdelay $0x4  }
0x107: {  	v50 =	vshll.u32 v3, $0x1  }
0x108: {  	v3 =	vand.u32 $0x7, v3;
	v4 =	vand.u32 $0xFFFFFFF0, v50  }
0x109: {  	v3 =	vor.u32 v3, v4  }
0x10a: {  	v4 =	vperm.xlane v3, v0;
	_ =	sdelay $0x1  }
0x10b: {  	v3 =	vperm.xlane v3, v2;
	v4 =	vadd.s32 v1, v4;
	_ =	sdelay $0x1  }
0x10c: {  	v3 =	vadd.s32 v1, v3;
	_ =	sdelay $0x2  }
0x10d: {  	[tilespmem:s18], [sflag:$0x1] =	stream.indirect_vreg.gather [hbm4b:s1+s4], $0x80, v4, vm0, $0xb8;
	[tilespmem:$0x8100] =	vst v63  }
0x10e: {  	_ = 	snop  }
0x10f: {  	[tilespmem:s19], [sflag:$0x1] =	stream.indirect_vreg.gather [hbm4b:s1+s4], $0x80, v3, vm0, $0xb8;
	[tilespmem:$0x8100] =	vst v63  }
0x110: {  	v3 =	vld [tilespmem:$0x30];
	_ =	sdelay $0x4  }
0x111: {  	v51 =	vshll.u32 v3, $0x1  }
0x112: {  	v3 =	vand.u32 $0x7, v3;
	v4 =	vand.u32 $0xFFFFFFF0, v51  }
0x113: {  	v3 =	vor.u32 v3, v4  }
0x114: {  	v4 =	vperm.xlane v3, v0;
	_ =	sdelay $0x1  }
0x115: {  	v3 =	vperm.xlane v3, v2;
	v4 =	vadd.s32 v1, v4;
	_ =	sdelay $0x1  }
0x116: {  	v3 =	vadd.s32 v1, v3;
	_ =	sdelay $0x2  }
0x117: {  	[tilespmem:s20], [sflag:$0x1] =	stream.indirect_vreg.gather [hbm4b:s1+s4], $0x80, v4, vm0, $0xb8;
	[tilespmem:$0x8100] =	vst v63  }
0x118: {  	_ = 	snop  }
0x119: {  	[tilespmem:s21], [sflag:$0x1] =	stream.indirect_vreg.gather [hbm4b:s1+s4], $0x80, v3, vm0, $0xb8;
	[tilespmem:$0x8100] =	vst v63  }
0x11a: {  	v3 =	vld [tilespmem:$0x80];
	_ =	sdelay $0x4  }
0x11b: {  	v52 =	vshll.u32 v3, $0x1  }
0x11c: {  	v3 =	vand.u32 $0x7, v3;
	v4 =	vand.u32 $0xFFFFFFF0, v52  }
0x11d: {  	v3 =	vor.u32 v3, v4  }
0x11e: {  	v4 =	vperm.xlane v3, v0;
	_ =	sdelay $0x1  }
0x11f: {  	v3 =	vperm.xlane v3, v2;
	v4 =	vadd.s32 v1, v4;
	_ =	sdelay $0x1  }
0x120: {  	v3 =	vadd.s32 v1, v3;
	_ =	sdelay $0x2  }
0x121: {  	[tilespmem:s22], [sflag:$0x2] =	stream.indirect_vreg.gather [hbm4b:s3+s4], $0x80, v4, vm0, $0xb8;
	[tilespmem:$0x8100] =	vst v63  }
0x122: {  	_ = 	snop  }
0x123: {  	[tilespmem:s23], [sflag:$0x2] =	stream.indirect_vreg.gather [hbm4b:s3+s4], $0x80, v3, vm0, $0xb8;
	[tilespmem:$0x8100] =	vst v63  }
0x124: {  	v3 =	vld [tilespmem:$0x90];
	_ =	sdelay $0x4  }
0x125: {  	v53 =	vshll.u32 v3, $0x1  }
0x126: {  	v3 =	vand.u32 $0x7, v3;
	v4 =	vand.u32 $0xFFFFFFF0, v53  }
0x127: {  	v3 =	vor.u32 v3, v4  }
0x128: {  	v4 =	vperm.xlane v3, v0;
	_ =	sdelay $0x1  }
0x129: {  	v3 =	vperm.xlane v3, v2;
	v4 =	vadd.s32 v1, v4;
	_ =	sdelay $0x1  }
0x12a: {  	v3 =	vadd.s32 v1, v3;
	_ =	sdelay $0x2  }
0x12b: {  	[tilespmem:s24], [sflag:$0x2] =	stream.indirect_vreg.gather [hbm4b:s3+s4], $0x80, v4, vm0, $0xb8;
	[tilespmem:$0x8100] =	vst v63  }
0x12c: {  	_ = 	snop  }
0x12d: {  	[tilespmem:s25], [sflag:$0x2] =	stream.indirect_vreg.gather [hbm4b:s3+s4], $0x80, v3, vm0, $0xb8;
	[tilespmem:$0x8100] =	vst v63  }
0x12e: {  	v3 =	vld [tilespmem:$0xA0];
	_ =	sdelay $0x4  }
0x12f: {  	v54 =	vshll.u32 v3, $0x1  }
0x130: {  	v3 =	vand.u32 $0x7, v3;
	v4 =	vand.u32 $0xFFFFFFF0, v54  }
0x131: {  	v3 =	vor.u32 v3, v4  }
0x132: {  	v4 =	vperm.xlane v3, v0;
	_ =	sdelay $0x1  }
0x133: {  	v3 =	vperm.xlane v3, v2;
	v4 =	vadd.s32 v1, v4;
	_ =	sdelay $0x1  }
0x134: {  	v3 =	vadd.s32 v1, v3;
	_ =	sdelay $0x2  }
0x135: {  	[tilespmem:s26], [sflag:$0x2] =	stream.indirect_vreg.gather [hbm4b:s3+s4], $0x80, v4, vm0, $0xb8;
	[tilespmem:$0x8100] =	vst v63  }
0x136: {  	_ = 	snop  }
0x137: {  	[tilespmem:s28], [sflag:$0x2] =	stream.indirect_vreg.gather [hbm4b:s3+s4], $0x80, v3, vm0, $0xb8;
	[tilespmem:$0x8100] =	vst v63  }
0x138: {  	v3 =	vld [tilespmem:$0xB0];
	_ =	sdelay $0x4  }
0x139: {  	v55 =	vshll.u32 v3, $0x1  }
0x13a: {  	v3 =	vand.u32 $0x7, v3;
	v4 =	vand.u32 $0xFFFFFFF0, v55  }
0x13b: {  	v3 =	vor.u32 v3, v4  }
0x13c: {  	v4 =	vperm.xlane v3, v0;
	_ =	sdelay $0x1  }
0x13d: {  	v3 =	vperm.xlane v3, v2;
	v4 =	vadd.s32 v1, v4;
	_ =	sdelay $0x1  }
0x13e: {  	v3 =	vadd.s32 v1, v3;
	_ =	sdelay $0x2  }
0x13f: {  	[tilespmem:s29], [sflag:$0x2] =	stream.indirect_vreg.gather [hbm4b:s3+s4], $0x80, v4, vm0, $0xb8;
	[tilespmem:$0x8100] =	vst v63  }
0x140: {  	_ = 	snop  }
0x141: {  	[tilespmem:s30], [sflag:$0x2] =	stream.indirect_vreg.gather [hbm4b:s3+s4], $0x80, v3, vm0, $0xb8;
	[tilespmem:$0x8100] =	vst v63  }
0x142: {  	_ =	swait.ge [sflag:s31], $0x4000  }
0x143: {  	[sflag:s31] =	ssyncset.done $0x0  }
0x144: {  	[sflag:s31] =	ssyncadd.s32 $0xFFFFC000  }
0x145: {  	_ =	swait.ge [sflag:s0], $0x4000  }
0x146: {  	[sflag:s0] =	ssyncset.done $0x0  }
0x147: {  	[sflag:s0] =	ssyncadd.s32 $0xFFFFC000  }
0x148: {  	[hbm4b:s5+s4] =	stream.linear.scatter [tilespmem:s14], [sflag:$0x3], $0x4000, $0x38;
	[tilespmem:$0x8100] =	vst v63  }
0x149: {  	_ =	swait.ge [sflag:s12], $0x4000  }
0x14a: {  	[sflag:s12] =	ssyncset.done $0x0  }
0x14b: {  	[sflag:s12] =	ssyncadd.s32 $0xFFFFC000  }
0x14c: {  	[hbm4b:s6+s4] =	stream.linear.scatter [tilespmem:s22], [sflag:$0x3], $0x4000, $0x38;
	[tilespmem:$0x8100] =	vst v63  }
0x14d: {  	_ =	swait.ge [sflag:s12], $0x4000  }
0x14e: {  	[sflag:s12] =	ssyncset.done $0x0  }
0x14f: {  	[sflag:s12] =	ssyncadd.s32 $0xFFFFC000  }
0x150: {  	[tilespmem:s4], [sflag:$0x3] =	stream.linear.gather [hbm4b:s7+s4], $0x40, $0x38;
	[tilespmem:$0x8100] =	vst v63  }
0x151: {  	_ =	swait.ge [sflag:s12], $0x40  }
0x152: {  	[sflag:s12] =	ssyncset.done $0x0  }
0x153: {  	[sflag:s12] =	ssyncadd.s32 $0xFFFFFFC0  }
0x154: {  	[tilespmem:s13], [sflag:$0x3] =	stream.linear.gather [hbm4b:s8+s4], $0x40, $0x38;
	[tilespmem:$0x8100] =	vst v63  }
0x155: {  	_ =	swait.ge [sflag:s12], $0x40  }
0x156: {  	[sflag:s12] =	ssyncset.done $0x0  }
0x157: {  	[sflag:s12] =	ssyncadd.s32 $0xFFFFFFC0  }
0x158: {  	v3 =	vld [tilespmem:$0x0];
	_ =	sdelay $0x4  }
0x159: {  	v56 =	vshll.u32 v3, $0x1  }
0x15a: {  	v3 =	vand.u32 $0x7, v3;
	v4 =	vand.u32 $0xFFFFFFF0, v56  }
0x15b: {  	v3 =	vor.u32 v3, v4  }
0x15c: {  	v4 =	vperm.xlane v3, v0;
	_ =	sdelay $0x1  }
0x15d: {  	v3 =	vperm.xlane v3, v2;
	v4 =	vadd.s32 v1, v4;
	_ =	sdelay $0x1  }
0x15e: {  	v3 =	vadd.s32 v1, v3;
	_ =	sdelay $0x2  }
0x15f: {  	[tilespmem:s14], [sflag:$0x1] =	stream.indirect_vreg.gather [hbm4b:s1+s4], $0x80, v4, vm0, $0xb8;
	[tilespmem:$0x8100] =	vst v63  }
0x160: {  	_ = 	snop  }
0x161: {  	[tilespmem:s15], [sflag:$0x1] =	stream.indirect_vreg.gather [hbm4b:s1+s4], $0x80, v3, vm0, $0xb8;
	[tilespmem:$0x8100] =	vst v63  }
0x162: {  	v3 =	vld [tilespmem:$0x10];
	_ =	sdelay $0x4  }
0x163: {  	v57 =	vshll.u32 v3, $0x1  }
0x164: {  	v3 =	vand.u32 $0x7, v3;
	v4 =	vand.u32 $0xFFFFFFF0, v57  }
0x165: {  	v3 =	vor.u32 v3, v4  }
0x166: {  	v4 =	vperm.xlane v3, v0;
	_ =	sdelay $0x1  }
0x167: {  	v3 =	vperm.xlane v3, v2;
	v4 =	vadd.s32 v1, v4;
	_ =	sdelay $0x1  }
0x168: {  	v3 =	vadd.s32 v1, v3;
	_ =	sdelay $0x2  }
0x169: {  	[tilespmem:s16], [sflag:$0x1] =	stream.indirect_vreg.gather [hbm4b:s1+s4], $0x80, v4, vm0, $0xb8;
	[tilespmem:$0x8100] =	vst v63  }
0x16a: {  	_ = 	snop  }
0x16b: {  	[tilespmem:s17], [sflag:$0x1] =	stream.indirect_vreg.gather [hbm4b:s1+s4], $0x80, v3, vm0, $0xb8;
	[tilespmem:$0x8100] =	vst v63  }
0x16c: {  	v3 =	vld [tilespmem:$0x20];
	_ =	sdelay $0x4  }
0x16d: {  	v58 =	vshll.u32 v3, $0x1  }
0x16e: {  	v3 =	vand.u32 $0x7, v3;
	v4 =	vand.u32 $0xFFFFFFF0, v58  }
0x16f: {  	v3 =	vor.u32 v3, v4  }
0x170: {  	v4 =	vperm.xlane v3, v0;
	_ =	sdelay $0x1  }
0x171: {  	v3 =	vperm.xlane v3, v2;
	v4 =	vadd.s32 v1, v4;
	_ =	sdelay $0x1  }
0x172: {  	v3 =	vadd.s32 v1, v3;
	_ =	sdelay $0x2  }
0x173: {  	[tilespmem:s18], [sflag:$0x1] =	stream.indirect_vreg.gather [hbm4b:s1+s4], $0x80, v4, vm0, $0xb8;
	[tilespmem:$0x8100] =	vst v63  }
0x174: {  	_ = 	snop  }
0x175: {  	[tilespmem:s19], [sflag:$0x1] =	stream.indirect_vreg.gather [hbm4b:s1+s4], $0x80, v3, vm0, $0xb8;
	[tilespmem:$0x8100] =	vst v63  }
0x176: {  	v3 =	vld [tilespmem:$0x30];
	_ =	sdelay $0x4  }
0x177: {  	v59 =	vshll.u32 v3, $0x1  }
0x178: {  	v3 =	vand.u32 $0x7, v3;
	v4 =	vand.u32 $0xFFFFFFF0, v59  }
0x179: {  	v3 =	vor.u32 v3, v4  }
0x17a: {  	v4 =	vperm.xlane v3, v0;
	_ =	sdelay $0x1  }
0x17b: {  	v3 =	vperm.xlane v3, v2;
	v4 =	vadd.s32 v1, v4;
	_ =	sdelay $0x1  }
0x17c: {  	v3 =	vadd.s32 v1, v3;
	_ =	sdelay $0x2  }
0x17d: {  	[tilespmem:s20], [sflag:$0x1] =	stream.indirect_vreg.gather [hbm4b:s1+s4], $0x80, v4, vm0, $0xb8;
	[tilespmem:$0x8100] =	vst v63  }
0x17e: {  	_ = 	snop  }
0x17f: {  	[tilespmem:s21], [sflag:$0x1] =	stream.indirect_vreg.gather [hbm4b:s1+s4], $0x80, v3, vm0, $0xb8;
	[tilespmem:$0x8100] =	vst v63  }
0x180: {  	v3 =	vld [tilespmem:$0x80];
	_ =	sdelay $0x4  }
0x181: {  	v60 =	vshll.u32 v3, $0x1  }
0x182: {  	v3 =	vand.u32 $0x7, v3;
	v4 =	vand.u32 $0xFFFFFFF0, v60  }
0x183: {  	v3 =	vor.u32 v3, v4  }
0x184: {  	v4 =	vperm.xlane v3, v0;
	_ =	sdelay $0x1  }
0x185: {  	v3 =	vperm.xlane v3, v2;
	v4 =	vadd.s32 v1, v4;
	_ =	sdelay $0x1  }
0x186: {  	v3 =	vadd.s32 v1, v3;
	_ =	sdelay $0x2  }
0x187: {  	[tilespmem:s22], [sflag:$0x2] =	stream.indirect_vreg.gather [hbm4b:s3+s4], $0x80, v4, vm0, $0xb8;
	[tilespmem:$0x8100] =	vst v63  }
0x188: {  	_ = 	snop  }
0x189: {  	[tilespmem:s23], [sflag:$0x2] =	stream.indirect_vreg.gather [hbm4b:s3+s4], $0x80, v3, vm0, $0xb8;
	[tilespmem:$0x8100] =	vst v63  }
0x18a: {  	v3 =	vld [tilespmem:$0x90];
	_ =	sdelay $0x4  }
0x18b: {  	v61 =	vshll.u32 v3, $0x1  }
0x18c: {  	v3 =	vand.u32 $0x7, v3;
	v4 =	vand.u32 $0xFFFFFFF0, v61  }
0x18d: {  	v3 =	vor.u32 v3, v4  }
0x18e: {  	v4 =	vperm.xlane v3, v0;
	_ =	sdelay $0x1  }
0x18f: {  	v3 =	vperm.xlane v3, v2;
	v4 =	vadd.s32 v1, v4;
	_ =	sdelay $0x1  }
0x190: {  	v3 =	vadd.s32 v1, v3;
	_ =	sdelay $0x2  }
0x191: {  	[tilespmem:s24], [sflag:$0x2] =	stream.indirect_vreg.gather [hbm4b:s3+s4], $0x80, v4, vm0, $0xb8;
	[tilespmem:$0x8100] =	vst v63  }
0x192: {  	_ = 	snop  }
0x193: {  	[tilespmem:s25], [sflag:$0x2] =	stream.indirect_vreg.gather [hbm4b:s3+s4], $0x80, v3, vm0, $0xb8;
	[tilespmem:$0x8100] =	vst v63  }
0x194: {  	v3 =	vld [tilespmem:$0xA0];
	_ =	sdelay $0x4  }
0x195: {  	v62 =	vshll.u32 v3, $0x1  }
0x196: {  	v3 =	vand.u32 $0x7, v3;
	v4 =	vand.u32 $0xFFFFFFF0, v62  }
0x197: {  	v3 =	vor.u32 v3, v4  }
0x198: {  	v4 =	vperm.xlane v3, v0;
	_ =	sdelay $0x1  }
0x199: {  	v3 =	vperm.xlane v3, v2;
	v4 =	vadd.s32 v1, v4;
	_ =	sdelay $0x1  }
0x19a: {  	v3 =	vadd.s32 v1, v3;
	_ =	sdelay $0x2  }
0x19b: {  	[tilespmem:s26], [sflag:$0x2] =	stream.indirect_vreg.gather [hbm4b:s3+s4], $0x80, v4, vm0, $0xb8;
	[tilespmem:$0x8100] =	vst v63  }
0x19c: {  	_ = 	snop  }
0x19d: {  	[tilespmem:s28], [sflag:$0x2] =	stream.indirect_vreg.gather [hbm4b:s3+s4], $0x80, v3, vm0, $0xb8;
	[tilespmem:$0x8100] =	vst v63  }
0x19e: {  	v3 =	vld [tilespmem:$0xB0];
	_ =	sdelay $0x4  }
0x19f: {  	v63 =	vshll.u32 v3, $0x1  }
0x1a0: {  	v3 =	vand.u32 $0x7, v3;
	v4 =	vand.u32 $0xFFFFFFF0, v63  }
0x1a1: {  	v3 =	vor.u32 v3, v4  }
0x1a2: {  	v4 =	vperm.xlane v3, v0;
	_ =	sdelay $0x1  }
0x1a3: {  	v3 =	vperm.xlane v3, v2;
	v4 =	vadd.s32 v1, v4;
	_ =	sdelay $0x1  }
0x1a4: {  	v3 =	vadd.s32 v1, v3;
	_ =	sdelay $0x2  }
0x1a5: {  	[tilespmem:s29], [sflag:$0x2] =	stream.indirect_vreg.gather [hbm4b:s3+s4], $0x80, v4, vm0, $0xb8;
	[tilespmem:$0x8100] =	vst v63  }
0x1a6: {  	_ = 	snop  }
0x1a7: {  	[tilespmem:s30], [sflag:$0x2] =	stream.indirect_vreg.gather [hbm4b:s3+s4], $0x80, v3, vm0, $0xb8;
	[tilespmem:$0x8100] =	vst v63  }
0x1a8: {  	_ =	swait.ge [sflag:s31], $0x4000  }
0x1a9: {  	[sflag:s31] =	ssyncset.done $0x0  }
0x1aa: {  	[sflag:s31] =	ssyncadd.s32 $0xFFFFC000  }
0x1ab: {  	_ =	swait.ge [sflag:s0], $0x4000  }
0x1ac: {  	[sflag:s0] =	ssyncset.done $0x0  }
0x1ad: {  	[sflag:s0] =	ssyncadd.s32 $0xFFFFC000  }
0x1ae: {  	[hbm4b:s9+s4] =	stream.linear.scatter [tilespmem:s14], [sflag:$0x3], $0x4000, $0x38;
	[tilespmem:$0x8100] =	vst v63  }
0x1af: {  	_ =	swait.ge [sflag:s12], $0x4000  }
0x1b0: {  	p0 =	sne.s32 s11, $0x1;
	[sflag:s12] =	ssyncset.done $0x0  }
.Ltmp0:
0x1b1: {  	[sflag:s12] =	ssyncadd.s32 $0xFFFFC000;
	(pc) =	sbr.rel @p0 .LBB2_1-.Ltmp0, $4  }
0x1b2: {  	[hbm4b:s10+s4] =	stream.linear.scatter [tilespmem:s22], [sflag:$0x3], $0x4000, $0x38;
	[tilespmem:$0x8100] =	vst v63  }
0x1b3: {  	_ =	swait.ge [sflag:s12], $0x4000  }
0x1b4: {  	[sflag:s12] =	ssyncset.done $0x0  }
0x1b5: {  	s11 =	sadd.s32 $0xFFFFFFFF, s11;
	[sflag:s12] =	ssyncadd.s32 $0xFFFFC000  }
0x1b6: {  	_ =	sfence.sel $0x180000  }
0x1b7: {  	[bflag:$0x0] =	sbarrier.arrive $0xFFFF  }
0x1b8: {  	_ =	strace $0x90000047  }
0x1b9: {  	s0 =	stileid.u32;
	[bflag:$0x2] =	sbarrier.arrive $0xFFFF  }
0x1ba: {  	p0 =	sne.s32 s0, $0x0;
	s0 =	rddreg [dreg:$0x4]  }
0x1bb: {  	s0 =	sadd.s32 @!p0 $0x100000, s0  }
0x1bc: {  	[sflag:s0] =	ssyncadd.tile.s32 @!p0 $0x1;
	_ =	shalt  }
.Lfunc_end2:
_tile_overlayer_lowered:
.L_overlay_start_2:
0x1bd: {  	(tag) =	ssettag $0x2  }
0x1be: {  	s0 =	rddreg [dreg:$0x0];
	s2 =	stileid.u32  }
0x1bf: {  	s1 =	rddreg [dreg:$0x1];
	p0 =	sne.s32 s2, $0x0  }
0x1c0: {  	s3 =	rddreg [dreg:$0x2];
	[bflag:$0x3] =	sbarrier.arrive $0xFFFF;
	s2 =	simm.s32 @!p0 $0x1C03  }
0x1c1: {  	[timem:s3], [sflag:s2] =	dma.local @!p0 [hbm:s0], s1  }
0x1c2: {  	s0 =	simm.s32 @!p0 $0x3  }
0x1c3: {  	_ =	swait.ge @!p0 [sflag:s0], s1  }
0x1c4: {  	s1 =	ssub.s32 @!p0 $0x0, s1;
	[sflag:s0] =	ssyncset.done @!p0 $0x0  }
0x1c5: {  	[sflag:s0] =	ssyncadd.s32 @!p0 s1  }
0x1c6: {  	[bflag:$0x3] =	sbarrier.arrive $0xFFFF  }
0x1c7: {  	_ =	shalt  }

</sc_bundles>
